<compile_context>
chip_gen: v7x
topology: tpu7x:2x2x1
jax: 0.10.2.dev20260603
libtpu: 0.0.44.dev20260713+nightly
codegen_flags: <defaults>
</compile_context>

<pallas_src>
import jax
import jax.numpy as jnp
from jax import lax
from jax.experimental import pallas as pl
from jax.experimental.pallas import tpu as pltpu
from jax.experimental.pallas import tpu_sc as plsc

EMBED_DIM = 1024
NC = 2
NS = 16
NW = NC * NS

CHUNK = 8
NBUF = 8
LAG = 3


def _make_gather(b_total):
    b_per_w = b_total // NW
    nchunk = b_per_w // CHUNK
    n_main = nchunk - NBUF
    assert n_main % NBUF == 0 and LAG < NBUF

    mesh = plsc.VectorSubcoreMesh(core_axis_name="c", subcore_axis_name="s")

    def body(table_hbm, idx_hbm, out_hbm, idx_v, rows_v, *sems):
        sem_in = sems[:NBUF]
        sem_out = sems[NBUF:]
        wid = lax.axis_index("s") * NC + lax.axis_index("c")
        base = wid * b_per_w

        pltpu.sync_copy(idx_hbm.at[wid], idx_v)

        def start_in(g, b):
            pltpu.async_copy(table_hbm.at[idx_v.at[g]], rows_v.at[b], sem_in[b])

        def wait_in(g, b):
            pltpu.make_async_copy(
                table_hbm.at[idx_v.at[g]], rows_v.at[b], sem_in[b]).wait()

        def start_out(g, b):
            pltpu.async_copy(
                rows_v.at[b], out_hbm.at[pl.ds(base + g * CHUNK, CHUNK)],
                sem_out[b])

        def wait_out(g, b):
            pltpu.make_async_copy(
                rows_v.at[b], out_hbm.at[pl.ds(base + g * CHUNK, CHUNK)],
                sem_out[b]).wait()

        for b in range(NBUF):
            start_in(b, b)
        for g in range(LAG):
            wait_in(g, g % NBUF)
            start_out(g, g % NBUF)

        def step(t, carry):
            for b in range(NBUF):
                g = LAG + t * NBUF + b
                bg = (LAG + b) % NBUF
                wait_in(g, bg)
                start_out(g, bg)
                wait_out(g - LAG, b)
                start_in(g - LAG + NBUF, b)
            return carry

        lax.fori_loop(0, n_main // NBUF, step, 0, unroll=False)

        for g in range(nchunk - NBUF + LAG, nchunk):
            wait_in(g, g % NBUF)
            start_out(g, g % NBUF)
        for g in range(nchunk - NBUF, nchunk):
            wait_out(g, g % NBUF)

    scratch = [
        pltpu.VMEM((nchunk, CHUNK), jnp.int32),
        pltpu.VMEM((NBUF, CHUNK, EMBED_DIM), jnp.float32),
    ] + [pltpu.SemaphoreType.DMA] * (2 * NBUF)

    return pl.kernel(
        body,
        out_type=jax.ShapeDtypeStruct((b_total, EMBED_DIM), jnp.float32),
        mesh=mesh,
        scratch_types=scratch,
        compiler_params=pltpu.CompilerParams(use_tc_tiling_on_sc=True),
    )


@jax.jit
def kernel(position_ids, table):
    b_total = position_ids.size
    idx = position_ids.reshape(NW, (b_total // NW) // CHUNK, CHUNK)
    idx = idx.astype(jnp.int32)
    out = _make_gather(b_total)(table, idx)
    return out.reshape(position_ids.shape + (EMBED_DIM,))

# --- scband reference (transcript-rebuilt; emitter-appended) ---
"""Pipeline reference for scband-positional-embedding-53420803228278 (READ-ONLY COPY).

The authoritative reference and input builder live on the scoring server;
editing this copy changes nothing except your own understanding.
"""

import jax, jax.numpy as jnp
import numpy as np

MAX_POS = 8192
EMBED_DIM = 1024
BATCH = 4
SEQ_LEN = 8192

def setup_inputs(seed: int = 0) -> dict:
    key = jax.random.key(seed)
    k_ids, k_tab = jax.random.split(key)
    position_ids = jax.random.randint(k_ids, (BATCH, SEQ_LEN), 0, MAX_POS, dtype=jnp.int64 if jax.config.jax_enable_x64 else jnp.int32)
    table = jax.random.normal(k_tab, (MAX_POS, EMBED_DIM), dtype=jnp.float32) * 0.02
    return {"position_ids": position_ids, "table": table}

def reference(position_ids, table):
    # Embedding lookup: gather rows of the positional embedding table.
    # Dropout is identity at inference time, so it is omitted.
    embeddings = jnp.take(table, position_ids, axis=0)
    return embeddings

if __name__ == "__main__":
    import jax
    _d = setup_inputs()
    print(jax.jit(kernel)(*tuple(_d.values())))

</pallas_src>

<mosaic_0001>
#map = affine_map<(d0, d1) -> (0, 0)>
#map1 = affine_map<(d0, d1) -> (0, 0, 0)>
module attributes {stable_mosaic.version = 14 : i64} {
  func.func @body(%arg0: i32, %arg1: i32, %arg2: memref<8192x1024xf32, #tpu.memory_space<hbm>>, %arg3: memref<32x128x8xi32, #tpu.memory_space<hbm>>, %arg4: memref<32768x1024xf32, #tpu.memory_space<hbm>>, %arg5: memref<128x8xi32, #tpu.memory_space<vmem>>, %arg6: memref<8x8x1024xf32, #tpu.memory_space<vmem>>, %arg7: memref<!tpu.dma_semaphore, #tpu.memory_space<semaphore_mem>>, %arg8: memref<!tpu.dma_semaphore, #tpu.memory_space<semaphore_mem>>, %arg9: memref<!tpu.dma_semaphore, #tpu.memory_space<semaphore_mem>>, %arg10: memref<!tpu.dma_semaphore, #tpu.memory_space<semaphore_mem>>, %arg11: memref<!tpu.dma_semaphore, #tpu.memory_space<semaphore_mem>>, %arg12: memref<!tpu.dma_semaphore, #tpu.memory_space<semaphore_mem>>, %arg13: memref<!tpu.dma_semaphore, #tpu.memory_space<semaphore_mem>>, %arg14: memref<!tpu.dma_semaphore, #tpu.memory_space<semaphore_mem>>, %arg15: memref<!tpu.dma_semaphore, #tpu.memory_space<semaphore_mem>>, %arg16: memref<!tpu.dma_semaphore, #tpu.memory_space<semaphore_mem>>, %arg17: memref<!tpu.dma_semaphore, #tpu.memory_space<semaphore_mem>>, %arg18: memref<!tpu.dma_semaphore, #tpu.memory_space<semaphore_mem>>, %arg19: memref<!tpu.dma_semaphore, #tpu.memory_space<semaphore_mem>>, %arg20: memref<!tpu.dma_semaphore, #tpu.memory_space<semaphore_mem>>, %arg21: memref<!tpu.dma_semaphore, #tpu.memory_space<semaphore_mem>>, %arg22: memref<!tpu.dma_semaphore, #tpu.memory_space<semaphore_mem>>) attributes {dimension_semantics = [#tpu.dimension_semantics<core_parallel>, #tpu.dimension_semantics<subcore_parallel>], iteration_bounds = array<i64: 2, 16>, scalar_prefetch = 0 : i64, scratch_operands = 18 : i64, tpu.core_type = #tpu.core_type<sc_vector_subcore>, window_params = [{transform_indices = #map}, {transform_indices = #map1}, {transform_indices = #map}]} {
    %mul3A = arith.constant 2 : i32
    %mul3A_0 = arith.muli %arg1, %mul3A : i32
    %add3A = arith.addi %mul3A_0, %arg0 : i32
    %mul3A_1 = arith.constant 1024 : i32
    %mul3A_2 = arith.muli %add3A, %mul3A_1 : i32
    "tpu.region"() ({
      %run_scoped3A = tpu.sem_alloc : memref<!tpu.dma_semaphore, #tpu.memory_space<semaphore_mem>>
      %dma_start3A_438 = arith.constant 0 : i32
      %dma_start3A_439 = arith.constant 0 : i32
      %dma_start3A_440 = tpu.memref_slice %arg3[%add3A, %dma_start3A_438, %dma_start3A_439] : memref<32x128x8xi32, #tpu.memory_space<hbm>> -> memref<1x128x8xi32, #tpu.memory_space<hbm>>
      %dma_start3A_441 = tpu.memref_squeeze %dma_start3A_440 : memref<1x128x8xi32, #tpu.memory_space<hbm>> -> memref<128x8xi32, #tpu.memory_space<hbm>>
      %dma_start3A_442 = arith.constant 0 : i32
      %dma_start3A_443 = arith.constant 0 : i32
      %dma_start3A_444 = tpu.memref_slice %arg3[%add3A, %dma_start3A_442, %dma_start3A_443] : memref<32x128x8xi32, #tpu.memory_space<hbm>> -> memref<1x128x8xi32, #tpu.memory_space<hbm>>
      %dma_start3A_445 = tpu.memref_squeeze %dma_start3A_444 : memref<1x128x8xi32, #tpu.memory_space<hbm>> -> memref<128x8xi32, #tpu.memory_space<hbm>>
      tpu.enqueue_dma source(%dma_start3A_445 : memref<128x8xi32, #tpu.memory_space<hbm>>) target(%arg5 : memref<128x8xi32, #tpu.memory_space<vmem>>) target_semaphore(%run_scoped3A : memref<!tpu.dma_semaphore, #tpu.memory_space<semaphore_mem>>)
      %dma_wait3A_446 = arith.constant 0 : i32
      %dma_wait3A_447 = arith.constant 0 : i32
      %dma_wait3A_448 = tpu.memref_slice %arg3[%add3A, %dma_wait3A_446, %dma_wait3A_447] : memref<32x128x8xi32, #tpu.memory_space<hbm>> -> memref<1x128x8xi32, #tpu.memory_space<hbm>>
      %dma_wait3A_449 = tpu.memref_squeeze %dma_wait3A_448 : memref<1x128x8xi32, #tpu.memory_space<hbm>> -> memref<128x8xi32, #tpu.memory_space<hbm>>
      %dma_wait3A_450 = arith.constant 0 : i32
      %dma_wait3A_451 = arith.constant 0 : i32
      %dma_wait3A_452 = tpu.memref_slice %arg3[%add3A, %dma_wait3A_450, %dma_wait3A_451] : memref<32x128x8xi32, #tpu.memory_space<hbm>> -> memref<1x128x8xi32, #tpu.memory_space<hbm>>
      %dma_wait3A_453 = tpu.memref_squeeze %dma_wait3A_452 : memref<1x128x8xi32, #tpu.memory_space<hbm>> -> memref<128x8xi32, #tpu.memory_space<hbm>>
      tpu.wait_dma2 semaphore(%run_scoped3A : memref<!tpu.dma_semaphore, #tpu.memory_space<semaphore_mem>>) src(%dma_wait3A_453 : memref<128x8xi32, #tpu.memory_space<hbm>>) dst(%arg5 : memref<128x8xi32, #tpu.memory_space<vmem>>)
      tpu.yield
    }) : () -> ()
    %dma_start3A = arith.constant 0 : i32
    %dma_start3A_3 = arith.constant 0 : i32
    %dma_start3A_4 = arith.constant 0 : i32
    %dma_start3A_5 = arith.constant 0 : i32
    %dma_start3A_6 = tpu.memref_slice %arg6[%dma_start3A_3, %dma_start3A_4, %dma_start3A_5] : memref<8x8x1024xf32, #tpu.memory_space<vmem>> -> memref<1x8x1024xf32, #tpu.memory_space<vmem>>
    %dma_start3A_7 = tpu.memref_squeeze %dma_start3A_6 : memref<1x8x1024xf32, #tpu.memory_space<vmem>> -> memref<8x1024xf32, #tpu.memory_space<vmem>>
    %dma_start3A_8 = arith.constant 0 : i32
    %dma_start3A_9 = tpu.memref_slice %arg5[%dma_start3A, %dma_start3A_8] : memref<128x8xi32, #tpu.memory_space<vmem>> -> memref<1x8xi32, #tpu.memory_space<vmem>>
    %dma_start3A_10 = tpu.memref_squeeze %dma_start3A_9 : memref<1x8xi32, #tpu.memory_space<vmem>> -> memref<8xi32, #tpu.memory_space<vmem>>
    %dma_start3A_11 = arith.constant 0 : i32
    %dma_start3A_12 = arith.constant 0 : i32
    %dma_start3A_13 = tpu.memref_slice %arg2[%dma_start3A_11, %dma_start3A_12] : memref<8192x1024xf32, #tpu.memory_space<hbm>> -> memref<8192x1024xf32, #tpu.memory_space<hbm>>
    tpu.enqueue_indirect_dma source(%dma_start3A_13 : memref<8192x1024xf32, #tpu.memory_space<hbm>>) target(%dma_start3A_7 : memref<8x1024xf32, #tpu.memory_space<vmem>>) offsets(%dma_start3A_10 : memref<8xi32, #tpu.memory_space<vmem>>) semaphore(%arg7 : memref<!tpu.dma_semaphore, #tpu.memory_space<semaphore_mem>>)
    %dma_start3A_14 = arith.constant 1 : i32
    %dma_start3A_15 = arith.constant 1 : i32
    %dma_start3A_16 = arith.constant 0 : i32
    %dma_start3A_17 = arith.constant 0 : i32
    %dma_start3A_18 = tpu.memref_slice %arg6[%dma_start3A_15, %dma_start3A_16, %dma_start3A_17] : memref<8x8x1024xf32, #tpu.memory_space<vmem>> -> memref<1x8x1024xf32, #tpu.memory_space<vmem>>
    %dma_start3A_19 = tpu.memref_squeeze %dma_start3A_18 : memref<1x8x1024xf32, #tpu.memory_space<vmem>> -> memref<8x1024xf32, #tpu.memory_space<vmem>>
    %dma_start3A_20 = arith.constant 0 : i32
    %dma_start3A_21 = tpu.memref_slice %arg5[%dma_start3A_14, %dma_start3A_20] : memref<128x8xi32, #tpu.memory_space<vmem>> -> memref<1x8xi32, #tpu.memory_space<vmem>>
    %dma_start3A_22 = tpu.memref_squeeze %dma_start3A_21 : memref<1x8xi32, #tpu.memory_space<vmem>> -> memref<8xi32, #tpu.memory_space<vmem>>
    %dma_start3A_23 = arith.constant 0 : i32
    %dma_start3A_24 = arith.constant 0 : i32
    %dma_start3A_25 = tpu.memref_slice %arg2[%dma_start3A_23, %dma_start3A_24] : memref<8192x1024xf32, #tpu.memory_space<hbm>> -> memref<8192x1024xf32, #tpu.memory_space<hbm>>
    tpu.enqueue_indirect_dma source(%dma_start3A_25 : memref<8192x1024xf32, #tpu.memory_space<hbm>>) target(%dma_start3A_19 : memref<8x1024xf32, #tpu.memory_space<vmem>>) offsets(%dma_start3A_22 : memref<8xi32, #tpu.memory_space<vmem>>) semaphore(%arg8 : memref<!tpu.dma_semaphore, #tpu.memory_space<semaphore_mem>>)
    %dma_start3A_26 = arith.constant 2 : i32
    %dma_start3A_27 = arith.constant 2 : i32
    %dma_start3A_28 = arith.constant 0 : i32
    %dma_start3A_29 = arith.constant 0 : i32
    %dma_start3A_30 = tpu.memref_slice %arg6[%dma_start3A_27, %dma_start3A_28, %dma_start3A_29] : memref<8x8x1024xf32, #tpu.memory_space<vmem>> -> memref<1x8x1024xf32, #tpu.memory_space<vmem>>
    %dma_start3A_31 = tpu.memref_squeeze %dma_start3A_30 : memref<1x8x1024xf32, #tpu.memory_space<vmem>> -> memref<8x1024xf32, #tpu.memory_space<vmem>>
    %dma_start3A_32 = arith.constant 0 : i32
    %dma_start3A_33 = tpu.memref_slice %arg5[%dma_start3A_26, %dma_start3A_32] : memref<128x8xi32, #tpu.memory_space<vmem>> -> memref<1x8xi32, #tpu.memory_space<vmem>>
    %dma_start3A_34 = tpu.memref_squeeze %dma_start3A_33 : memref<1x8xi32, #tpu.memory_space<vmem>> -> memref<8xi32, #tpu.memory_space<vmem>>
    %dma_start3A_35 = arith.constant 0 : i32
    %dma_start3A_36 = arith.constant 0 : i32
    %dma_start3A_37 = tpu.memref_slice %arg2[%dma_start3A_35, %dma_start3A_36] : memref<8192x1024xf32, #tpu.memory_space<hbm>> -> memref<8192x1024xf32, #tpu.memory_space<hbm>>
    tpu.enqueue_indirect_dma source(%dma_start3A_37 : memref<8192x1024xf32, #tpu.memory_space<hbm>>) target(%dma_start3A_31 : memref<8x1024xf32, #tpu.memory_space<vmem>>) offsets(%dma_start3A_34 : memref<8xi32, #tpu.memory_space<vmem>>) semaphore(%arg9 : memref<!tpu.dma_semaphore, #tpu.memory_space<semaphore_mem>>)
    %dma_start3A_38 = arith.constant 3 : i32
    %dma_start3A_39 = arith.constant 3 : i32
    %dma_start3A_40 = arith.constant 0 : i32
    %dma_start3A_41 = arith.constant 0 : i32
    %dma_start3A_42 = tpu.memref_slice %arg6[%dma_start3A_39, %dma_start3A_40, %dma_start3A_41] : memref<8x8x1024xf32, #tpu.memory_space<vmem>> -> memref<1x8x1024xf32, #tpu.memory_space<vmem>>
    %dma_start3A_43 = tpu.memref_squeeze %dma_start3A_42 : memref<1x8x1024xf32, #tpu.memory_space<vmem>> -> memref<8x1024xf32, #tpu.memory_space<vmem>>
    %dma_start3A_44 = arith.constant 0 : i32
    %dma_start3A_45 = tpu.memref_slice %arg5[%dma_start3A_38, %dma_start3A_44] : memref<128x8xi32, #tpu.memory_space<vmem>> -> memref<1x8xi32, #tpu.memory_space<vmem>>
    %dma_start3A_46 = tpu.memref_squeeze %dma_start3A_45 : memref<1x8xi32, #tpu.memory_space<vmem>> -> memref<8xi32, #tpu.memory_space<vmem>>
    %dma_start3A_47 = arith.constant 0 : i32
    %dma_start3A_48 = arith.constant 0 : i32
    %dma_start3A_49 = tpu.memref_slice %arg2[%dma_start3A_47, %dma_start3A_48] : memref<8192x1024xf32, #tpu.memory_space<hbm>> -> memref<8192x1024xf32, #tpu.memory_space<hbm>>
    tpu.enqueue_indirect_dma source(%dma_start3A_49 : memref<8192x1024xf32, #tpu.memory_space<hbm>>) target(%dma_start3A_43 : memref<8x1024xf32, #tpu.memory_space<vmem>>) offsets(%dma_start3A_46 : memref<8xi32, #tpu.memory_space<vmem>>) semaphore(%arg10 : memref<!tpu.dma_semaphore, #tpu.memory_space<semaphore_mem>>)
    %dma_start3A_50 = arith.constant 4 : i32
    %dma_start3A_51 = arith.constant 4 : i32
    %dma_start3A_52 = arith.constant 0 : i32
    %dma_start3A_53 = arith.constant 0 : i32
    %dma_start3A_54 = tpu.memref_slice %arg6[%dma_start3A_51, %dma_start3A_52, %dma_start3A_53] : memref<8x8x1024xf32, #tpu.memory_space<vmem>> -> memref<1x8x1024xf32, #tpu.memory_space<vmem>>
    %dma_start3A_55 = tpu.memref_squeeze %dma_start3A_54 : memref<1x8x1024xf32, #tpu.memory_space<vmem>> -> memref<8x1024xf32, #tpu.memory_space<vmem>>
    %dma_start3A_56 = arith.constant 0 : i32
    %dma_start3A_57 = tpu.memref_slice %arg5[%dma_start3A_50, %dma_start3A_56] : memref<128x8xi32, #tpu.memory_space<vmem>> -> memref<1x8xi32, #tpu.memory_space<vmem>>
    %dma_start3A_58 = tpu.memref_squeeze %dma_start3A_57 : memref<1x8xi32, #tpu.memory_space<vmem>> -> memref<8xi32, #tpu.memory_space<vmem>>
    %dma_start3A_59 = arith.constant 0 : i32
    %dma_start3A_60 = arith.constant 0 : i32
    %dma_start3A_61 = tpu.memref_slice %arg2[%dma_start3A_59, %dma_start3A_60] : memref<8192x1024xf32, #tpu.memory_space<hbm>> -> memref<8192x1024xf32, #tpu.memory_space<hbm>>
    tpu.enqueue_indirect_dma source(%dma_start3A_61 : memref<8192x1024xf32, #tpu.memory_space<hbm>>) target(%dma_start3A_55 : memref<8x1024xf32, #tpu.memory_space<vmem>>) offsets(%dma_start3A_58 : memref<8xi32, #tpu.memory_space<vmem>>) semaphore(%arg11 : memref<!tpu.dma_semaphore, #tpu.memory_space<semaphore_mem>>)
    %dma_start3A_62 = arith.constant 5 : i32
    %dma_start3A_63 = arith.constant 5 : i32
    %dma_start3A_64 = arith.constant 0 : i32
    %dma_start3A_65 = arith.constant 0 : i32
    %dma_start3A_66 = tpu.memref_slice %arg6[%dma_start3A_63, %dma_start3A_64, %dma_start3A_65] : memref<8x8x1024xf32, #tpu.memory_space<vmem>> -> memref<1x8x1024xf32, #tpu.memory_space<vmem>>
    %dma_start3A_67 = tpu.memref_squeeze %dma_start3A_66 : memref<1x8x1024xf32, #tpu.memory_space<vmem>> -> memref<8x1024xf32, #tpu.memory_space<vmem>>
    %dma_start3A_68 = arith.constant 0 : i32
    %dma_start3A_69 = tpu.memref_slice %arg5[%dma_start3A_62, %dma_start3A_68] : memref<128x8xi32, #tpu.memory_space<vmem>> -> memref<1x8xi32, #tpu.memory_space<vmem>>
    %dma_start3A_70 = tpu.memref_squeeze %dma_start3A_69 : memref<1x8xi32, #tpu.memory_space<vmem>> -> memref<8xi32, #tpu.memory_space<vmem>>
    %dma_start3A_71 = arith.constant 0 : i32
    %dma_start3A_72 = arith.constant 0 : i32
    %dma_start3A_73 = tpu.memref_slice %arg2[%dma_start3A_71, %dma_start3A_72] : memref<8192x1024xf32, #tpu.memory_space<hbm>> -> memref<8192x1024xf32, #tpu.memory_space<hbm>>
    tpu.enqueue_indirect_dma source(%dma_start3A_73 : memref<8192x1024xf32, #tpu.memory_space<hbm>>) target(%dma_start3A_67 : memref<8x1024xf32, #tpu.memory_space<vmem>>) offsets(%dma_start3A_70 : memref<8xi32, #tpu.memory_space<vmem>>) semaphore(%arg12 : memref<!tpu.dma_semaphore, #tpu.memory_space<semaphore_mem>>)
    %dma_start3A_74 = arith.constant 6 : i32
    %dma_start3A_75 = arith.constant 6 : i32
    %dma_start3A_76 = arith.constant 0 : i32
    %dma_start3A_77 = arith.constant 0 : i32
    %dma_start3A_78 = tpu.memref_slice %arg6[%dma_start3A_75, %dma_start3A_76, %dma_start3A_77] : memref<8x8x1024xf32, #tpu.memory_space<vmem>> -> memref<1x8x1024xf32, #tpu.memory_space<vmem>>
    %dma_start3A_79 = tpu.memref_squeeze %dma_start3A_78 : memref<1x8x1024xf32, #tpu.memory_space<vmem>> -> memref<8x1024xf32, #tpu.memory_space<vmem>>
    %dma_start3A_80 = arith.constant 0 : i32
    %dma_start3A_81 = tpu.memref_slice %arg5[%dma_start3A_74, %dma_start3A_80] : memref<128x8xi32, #tpu.memory_space<vmem>> -> memref<1x8xi32, #tpu.memory_space<vmem>>
    %dma_start3A_82 = tpu.memref_squeeze %dma_start3A_81 : memref<1x8xi32, #tpu.memory_space<vmem>> -> memref<8xi32, #tpu.memory_space<vmem>>
    %dma_start3A_83 = arith.constant 0 : i32
    %dma_start3A_84 = arith.constant 0 : i32
    %dma_start3A_85 = tpu.memref_slice %arg2[%dma_start3A_83, %dma_start3A_84] : memref<8192x1024xf32, #tpu.memory_space<hbm>> -> memref<8192x1024xf32, #tpu.memory_space<hbm>>
    tpu.enqueue_indirect_dma source(%dma_start3A_85 : memref<8192x1024xf32, #tpu.memory_space<hbm>>) target(%dma_start3A_79 : memref<8x1024xf32, #tpu.memory_space<vmem>>) offsets(%dma_start3A_82 : memref<8xi32, #tpu.memory_space<vmem>>) semaphore(%arg13 : memref<!tpu.dma_semaphore, #tpu.memory_space<semaphore_mem>>)
    %dma_start3A_86 = arith.constant 7 : i32
    %dma_start3A_87 = arith.constant 7 : i32
    %dma_start3A_88 = arith.constant 0 : i32
    %dma_start3A_89 = arith.constant 0 : i32
    %dma_start3A_90 = tpu.memref_slice %arg6[%dma_start3A_87, %dma_start3A_88, %dma_start3A_89] : memref<8x8x1024xf32, #tpu.memory_space<vmem>> -> memref<1x8x1024xf32, #tpu.memory_space<vmem>>
    %dma_start3A_91 = tpu.memref_squeeze %dma_start3A_90 : memref<1x8x1024xf32, #tpu.memory_space<vmem>> -> memref<8x1024xf32, #tpu.memory_space<vmem>>
    %dma_start3A_92 = arith.constant 0 : i32
    %dma_start3A_93 = tpu.memref_slice %arg5[%dma_start3A_86, %dma_start3A_92] : memref<128x8xi32, #tpu.memory_space<vmem>> -> memref<1x8xi32, #tpu.memory_space<vmem>>
    %dma_start3A_94 = tpu.memref_squeeze %dma_start3A_93 : memref<1x8xi32, #tpu.memory_space<vmem>> -> memref<8xi32, #tpu.memory_space<vmem>>
    %dma_start3A_95 = arith.constant 0 : i32
    %dma_start3A_96 = arith.constant 0 : i32
    %dma_start3A_97 = tpu.memref_slice %arg2[%dma_start3A_95, %dma_start3A_96] : memref<8192x1024xf32, #tpu.memory_space<hbm>> -> memref<8192x1024xf32, #tpu.memory_space<hbm>>
    tpu.enqueue_indirect_dma source(%dma_start3A_97 : memref<8192x1024xf32, #tpu.memory_space<hbm>>) target(%dma_start3A_91 : memref<8x1024xf32, #tpu.memory_space<vmem>>) offsets(%dma_start3A_94 : memref<8xi32, #tpu.memory_space<vmem>>) semaphore(%arg14 : memref<!tpu.dma_semaphore, #tpu.memory_space<semaphore_mem>>)
    %dma_wait3A = arith.constant 0 : i32
    %dma_wait3A_98 = arith.constant 0 : i32
    %dma_wait3A_99 = arith.constant 0 : i32
    %dma_wait3A_100 = arith.constant 0 : i32
    %dma_wait3A_101 = tpu.memref_slice %arg6[%dma_wait3A_98, %dma_wait3A_99, %dma_wait3A_100] : memref<8x8x1024xf32, #tpu.memory_space<vmem>> -> memref<1x8x1024xf32, #tpu.memory_space<vmem>>
    %dma_wait3A_102 = tpu.memref_squeeze %dma_wait3A_101 : memref<1x8x1024xf32, #tpu.memory_space<vmem>> -> memref<8x1024xf32, #tpu.memory_space<vmem>>
    %dma_wait3A_103 = arith.constant 0 : i32
    %dma_wait3A_104 = tpu.memref_slice %arg5[%dma_wait3A, %dma_wait3A_103] : memref<128x8xi32, #tpu.memory_space<vmem>> -> memref<1x8xi32, #tpu.memory_space<vmem>>
    %dma_wait3A_105 = tpu.memref_squeeze %dma_wait3A_104 : memref<1x8xi32, #tpu.memory_space<vmem>> -> memref<8xi32, #tpu.memory_space<vmem>>
    %dma_wait3A_106 = arith.constant 0 : i32
    %dma_wait3A_107 = arith.constant 0 : i32
    %dma_wait3A_108 = tpu.memref_slice %arg2[%dma_wait3A_106, %dma_wait3A_107] : memref<8192x1024xf32, #tpu.memory_space<hbm>> -> memref<8192x1024xf32, #tpu.memory_space<hbm>>
    tpu.wait_indirect_dma semaphore(%arg7 : memref<!tpu.dma_semaphore, #tpu.memory_space<semaphore_mem>>) src(%dma_wait3A_108 : memref<8192x1024xf32, #tpu.memory_space<hbm>>) dst(%dma_wait3A_102 : memref<8x1024xf32, #tpu.memory_space<vmem>>)
    %add3A_109 = arith.constant 0 : i32
    %add3A_110 = arith.addi %mul3A_2, %add3A_109 : i32
    %dma_start3A_111 = arith.constant 0 : i32
    %dma_start3A_112 = arith.constant 0 : i32
    %dma_start3A_113 = arith.constant 0 : i32
    %dma_start3A_114 = tpu.memref_slice %arg6[%dma_start3A_111, %dma_start3A_112, %dma_start3A_113] : memref<8x8x1024xf32, #tpu.memory_space<vmem>> -> memref<1x8x1024xf32, #tpu.memory_space<vmem>>
    %dma_start3A_115 = tpu.memref_squeeze %dma_start3A_114 : memref<1x8x1024xf32, #tpu.memory_space<vmem>> -> memref<8x1024xf32, #tpu.memory_space<vmem>>
    %dma_start3A_116 = arith.constant 0 : i32
    %dma_start3A_117 = tpu.memref_slice %arg4[%add3A_110, %dma_start3A_116] : memref<32768x1024xf32, #tpu.memory_space<hbm>> -> memref<8x1024xf32, #tpu.memory_space<hbm>>
    %dma_start3A_118 = arith.constant 0 : i32
    %dma_start3A_119 = tpu.memref_slice %arg4[%add3A_110, %dma_start3A_118] : memref<32768x1024xf32, #tpu.memory_space<hbm>> -> memref<8x1024xf32, #tpu.memory_space<hbm>>
    %dma_start3A_120 = arith.constant 0 : i32
    %dma_start3A_121 = arith.constant 0 : i32
    %dma_start3A_122 = tpu.memref_slice %arg6[%dma_start3A_111, %dma_start3A_120, %dma_start3A_121] : memref<8x8x1024xf32, #tpu.memory_space<vmem>> -> memref<1x8x1024xf32, #tpu.memory_space<vmem>>
    %dma_start3A_123 = tpu.memref_squeeze %dma_start3A_122 : memref<1x8x1024xf32, #tpu.memory_space<vmem>> -> memref<8x1024xf32, #tpu.memory_space<vmem>>
    tpu.enqueue_dma source(%dma_start3A_123 : memref<8x1024xf32, #tpu.memory_space<vmem>>) target(%dma_start3A_119 : memref<8x1024xf32, #tpu.memory_space<hbm>>) target_semaphore(%arg15 : memref<!tpu.dma_semaphore, #tpu.memory_space<semaphore_mem>>)
    %dma_wait3A_124 = arith.constant 1 : i32
    %dma_wait3A_125 = arith.constant 1 : i32
    %dma_wait3A_126 = arith.constant 0 : i32
    %dma_wait3A_127 = arith.constant 0 : i32
    %dma_wait3A_128 = tpu.memref_slice %arg6[%dma_wait3A_125, %dma_wait3A_126, %dma_wait3A_127] : memref<8x8x1024xf32, #tpu.memory_space<vmem>> -> memref<1x8x1024xf32, #tpu.memory_space<vmem>>
    %dma_wait3A_129 = tpu.memref_squeeze %dma_wait3A_128 : memref<1x8x1024xf32, #tpu.memory_space<vmem>> -> memref<8x1024xf32, #tpu.memory_space<vmem>>
    %dma_wait3A_130 = arith.constant 0 : i32
    %dma_wait3A_131 = tpu.memref_slice %arg5[%dma_wait3A_124, %dma_wait3A_130] : memref<128x8xi32, #tpu.memory_space<vmem>> -> memref<1x8xi32, #tpu.memory_space<vmem>>
    %dma_wait3A_132 = tpu.memref_squeeze %dma_wait3A_131 : memref<1x8xi32, #tpu.memory_space<vmem>> -> memref<8xi32, #tpu.memory_space<vmem>>
    %dma_wait3A_133 = arith.constant 0 : i32
    %dma_wait3A_134 = arith.constant 0 : i32
    %dma_wait3A_135 = tpu.memref_slice %arg2[%dma_wait3A_133, %dma_wait3A_134] : memref<8192x1024xf32, #tpu.memory_space<hbm>> -> memref<8192x1024xf32, #tpu.memory_space<hbm>>
    tpu.wait_indirect_dma semaphore(%arg8 : memref<!tpu.dma_semaphore, #tpu.memory_space<semaphore_mem>>) src(%dma_wait3A_135 : memref<8192x1024xf32, #tpu.memory_space<hbm>>) dst(%dma_wait3A_129 : memref<8x1024xf32, #tpu.memory_space<vmem>>)
    %add3A_136 = arith.constant 8 : i32
    %add3A_137 = arith.addi %mul3A_2, %add3A_136 : i32
    %dma_start3A_138 = arith.constant 1 : i32
    %dma_start3A_139 = arith.constant 0 : i32
    %dma_start3A_140 = arith.constant 0 : i32
    %dma_start3A_141 = tpu.memref_slice %arg6[%dma_start3A_138, %dma_start3A_139, %dma_start3A_140] : memref<8x8x1024xf32, #tpu.memory_space<vmem>> -> memref<1x8x1024xf32, #tpu.memory_space<vmem>>
    %dma_start3A_142 = tpu.memref_squeeze %dma_start3A_141 : memref<1x8x1024xf32, #tpu.memory_space<vmem>> -> memref<8x1024xf32, #tpu.memory_space<vmem>>
    %dma_start3A_143 = arith.constant 0 : i32
    %dma_start3A_144 = tpu.memref_slice %arg4[%add3A_137, %dma_start3A_143] : memref<32768x1024xf32, #tpu.memory_space<hbm>> -> memref<8x1024xf32, #tpu.memory_space<hbm>>
    %dma_start3A_145 = arith.constant 0 : i32
    %dma_start3A_146 = tpu.memref_slice %arg4[%add3A_137, %dma_start3A_145] : memref<32768x1024xf32, #tpu.memory_space<hbm>> -> memref<8x1024xf32, #tpu.memory_space<hbm>>
    %dma_start3A_147 = arith.constant 0 : i32
    %dma_start3A_148 = arith.constant 0 : i32
    %dma_start3A_149 = tpu.memref_slice %arg6[%dma_start3A_138, %dma_start3A_147, %dma_start3A_148] : memref<8x8x1024xf32, #tpu.memory_space<vmem>> -> memref<1x8x1024xf32, #tpu.memory_space<vmem>>
    %dma_start3A_150 = tpu.memref_squeeze %dma_start3A_149 : memref<1x8x1024xf32, #tpu.memory_space<vmem>> -> memref<8x1024xf32, #tpu.memory_space<vmem>>
    tpu.enqueue_dma source(%dma_start3A_150 : memref<8x1024xf32, #tpu.memory_space<vmem>>) target(%dma_start3A_146 : memref<8x1024xf32, #tpu.memory_space<hbm>>) target_semaphore(%arg16 : memref<!tpu.dma_semaphore, #tpu.memory_space<semaphore_mem>>)
    %dma_wait3A_151 = arith.constant 2 : i32
    %dma_wait3A_152 = arith.constant 2 : i32
    %dma_wait3A_153 = arith.constant 0 : i32
    %dma_wait3A_154 = arith.constant 0 : i32
    %dma_wait3A_155 = tpu.memref_slice %arg6[%dma_wait3A_152, %dma_wait3A_153, %dma_wait3A_154] : memref<8x8x1024xf32, #tpu.memory_space<vmem>> -> memref<1x8x1024xf32, #tpu.memory_space<vmem>>
    %dma_wait3A_156 = tpu.memref_squeeze %dma_wait3A_155 : memref<1x8x1024xf32, #tpu.memory_space<vmem>> -> memref<8x1024xf32, #tpu.memory_space<vmem>>
    %dma_wait3A_157 = arith.constant 0 : i32
    %dma_wait3A_158 = tpu.memref_slice %arg5[%dma_wait3A_151, %dma_wait3A_157] : memref<128x8xi32, #tpu.memory_space<vmem>> -> memref<1x8xi32, #tpu.memory_space<vmem>>
    %dma_wait3A_159 = tpu.memref_squeeze %dma_wait3A_158 : memref<1x8xi32, #tpu.memory_space<vmem>> -> memref<8xi32, #tpu.memory_space<vmem>>
    %dma_wait3A_160 = arith.constant 0 : i32
    %dma_wait3A_161 = arith.constant 0 : i32
    %dma_wait3A_162 = tpu.memref_slice %arg2[%dma_wait3A_160, %dma_wait3A_161] : memref<8192x1024xf32, #tpu.memory_space<hbm>> -> memref<8192x1024xf32, #tpu.memory_space<hbm>>
    tpu.wait_indirect_dma semaphore(%arg9 : memref<!tpu.dma_semaphore, #tpu.memory_space<semaphore_mem>>) src(%dma_wait3A_162 : memref<8192x1024xf32, #tpu.memory_space<hbm>>) dst(%dma_wait3A_156 : memref<8x1024xf32, #tpu.memory_space<vmem>>)
    %add3A_163 = arith.constant 16 : i32
    %add3A_164 = arith.addi %mul3A_2, %add3A_163 : i32
    %dma_start3A_165 = arith.constant 2 : i32
    %dma_start3A_166 = arith.constant 0 : i32
    %dma_start3A_167 = arith.constant 0 : i32
    %dma_start3A_168 = tpu.memref_slice %arg6[%dma_start3A_165, %dma_start3A_166, %dma_start3A_167] : memref<8x8x1024xf32, #tpu.memory_space<vmem>> -> memref<1x8x1024xf32, #tpu.memory_space<vmem>>
    %dma_start3A_169 = tpu.memref_squeeze %dma_start3A_168 : memref<1x8x1024xf32, #tpu.memory_space<vmem>> -> memref<8x1024xf32, #tpu.memory_space<vmem>>
    %dma_start3A_170 = arith.constant 0 : i32
    %dma_start3A_171 = tpu.memref_slice %arg4[%add3A_164, %dma_start3A_170] : memref<32768x1024xf32, #tpu.memory_space<hbm>> -> memref<8x1024xf32, #tpu.memory_space<hbm>>
    %dma_start3A_172 = arith.constant 0 : i32
    %dma_start3A_173 = tpu.memref_slice %arg4[%add3A_164, %dma_start3A_172] : memref<32768x1024xf32, #tpu.memory_space<hbm>> -> memref<8x1024xf32, #tpu.memory_space<hbm>>
    %dma_start3A_174 = arith.constant 0 : i32
    %dma_start3A_175 = arith.constant 0 : i32
    %dma_start3A_176 = tpu.memref_slice %arg6[%dma_start3A_165, %dma_start3A_174, %dma_start3A_175] : memref<8x8x1024xf32, #tpu.memory_space<vmem>> -> memref<1x8x1024xf32, #tpu.memory_space<vmem>>
    %dma_start3A_177 = tpu.memref_squeeze %dma_start3A_176 : memref<1x8x1024xf32, #tpu.memory_space<vmem>> -> memref<8x1024xf32, #tpu.memory_space<vmem>>
    tpu.enqueue_dma source(%dma_start3A_177 : memref<8x1024xf32, #tpu.memory_space<vmem>>) target(%dma_start3A_173 : memref<8x1024xf32, #tpu.memory_space<hbm>>) target_semaphore(%arg17 : memref<!tpu.dma_semaphore, #tpu.memory_space<semaphore_mem>>)
    %scan3A = arith.constant 0 : i32
    %scan3A_178 = arith.constant 0 : i32
    %scan3A_179 = arith.constant 15 : i32
    %scan3A_180 = arith.addi %scan3A_178, %scan3A_179 : i32
    %scan3A_181 = arith.constant 1 : i32
    scf.for %scan3A_438 = %scan3A_178 to %scan3A_180 step %scan3A_181  : i32 {
      %mul3A_439 = arith.constant 8 : i32
      %mul3A_440 = arith.muli %scan3A_438, %mul3A_439 : i32
      %add3A_441 = arith.constant 3 : i32
      %add3A_442 = arith.addi %add3A_441, %mul3A_440 : i32
      %add3A_443 = arith.constant 0 : i32
      %add3A_444 = arith.addi %add3A_442, %add3A_443 : i32
      %dma_wait3A_445 = arith.constant 3 : i32
      %dma_wait3A_446 = arith.constant 0 : i32
      %dma_wait3A_447 = arith.constant 0 : i32
      %dma_wait3A_448 = tpu.memref_slice %arg6[%dma_wait3A_445, %dma_wait3A_446, %dma_wait3A_447] : memref<8x8x1024xf32, #tpu.memory_space<vmem>> -> memref<1x8x1024xf32, #tpu.memory_space<vmem>>
      %dma_wait3A_449 = tpu.memref_squeeze %dma_wait3A_448 : memref<1x8x1024xf32, #tpu.memory_space<vmem>> -> memref<8x1024xf32, #tpu.memory_space<vmem>>
      %dma_wait3A_450 = arith.constant 0 : i32
      %dma_wait3A_451 = tpu.memref_slice %arg5[%add3A_444, %dma_wait3A_450] : memref<128x8xi32, #tpu.memory_space<vmem>> -> memref<1x8xi32, #tpu.memory_space<vmem>>
      %dma_wait3A_452 = tpu.memref_squeeze %dma_wait3A_451 : memref<1x8xi32, #tpu.memory_space<vmem>> -> memref<8xi32, #tpu.memory_space<vmem>>
      %dma_wait3A_453 = arith.constant 0 : i32
      %dma_wait3A_454 = arith.constant 0 : i32
      %dma_wait3A_455 = tpu.memref_slice %arg2[%dma_wait3A_453, %dma_wait3A_454] : memref<8192x1024xf32, #tpu.memory_space<hbm>> -> memref<8192x1024xf32, #tpu.memory_space<hbm>>
      tpu.wait_indirect_dma semaphore(%arg10 : memref<!tpu.dma_semaphore, #tpu.memory_space<semaphore_mem>>) src(%dma_wait3A_455 : memref<8192x1024xf32, #tpu.memory_space<hbm>>) dst(%dma_wait3A_449 : memref<8x1024xf32, #tpu.memory_space<vmem>>)
      %mul3A_456 = arith.constant 8 : i32
      %mul3A_457 = arith.muli %add3A_444, %mul3A_456 : i32
      %add3A_458 = arith.addi %mul3A_2, %mul3A_457 : i32
      %dma_start3A_459 = arith.constant 3 : i32
      %dma_start3A_460 = arith.constant 0 : i32
      %dma_start3A_461 = arith.constant 0 : i32
      %dma_start3A_462 = tpu.memref_slice %arg6[%dma_start3A_459, %dma_start3A_460, %dma_start3A_461] : memref<8x8x1024xf32, #tpu.memory_space<vmem>> -> memref<1x8x1024xf32, #tpu.memory_space<vmem>>
      %dma_start3A_463 = tpu.memref_squeeze %dma_start3A_462 : memref<1x8x1024xf32, #tpu.memory_space<vmem>> -> memref<8x1024xf32, #tpu.memory_space<vmem>>
      %dma_start3A_464 = arith.constant 0 : i32
      %dma_start3A_465 = tpu.memref_slice %arg4[%add3A_458, %dma_start3A_464] : memref<32768x1024xf32, #tpu.memory_space<hbm>> -> memref<8x1024xf32, #tpu.memory_space<hbm>>
      %dma_start3A_466 = arith.constant 0 : i32
      %dma_start3A_467 = tpu.memref_slice %arg4[%add3A_458, %dma_start3A_466] : memref<32768x1024xf32, #tpu.memory_space<hbm>> -> memref<8x1024xf32, #tpu.memory_space<hbm>>
      %dma_start3A_468 = arith.constant 0 : i32
      %dma_start3A_469 = arith.constant 0 : i32
      %dma_start3A_470 = tpu.memref_slice %arg6[%dma_start3A_459, %dma_start3A_468, %dma_start3A_469] : memref<8x8x1024xf32, #tpu.memory_space<vmem>> -> memref<1x8x1024xf32, #tpu.memory_space<vmem>>
      %dma_start3A_471 = tpu.memref_squeeze %dma_start3A_470 : memref<1x8x1024xf32, #tpu.memory_space<vmem>> -> memref<8x1024xf32, #tpu.memory_space<vmem>>
      tpu.enqueue_dma source(%dma_start3A_471 : memref<8x1024xf32, #tpu.memory_space<vmem>>) target(%dma_start3A_467 : memref<8x1024xf32, #tpu.memory_space<hbm>>) target_semaphore(%arg18 : memref<!tpu.dma_semaphore, #tpu.memory_space<semaphore_mem>>)
      %sub3A = arith.constant 3 : i32
      %sub3A_472 = arith.subi %add3A_444, %sub3A : i32
      %mul3A_473 = arith.constant 8 : i32
      %mul3A_474 = arith.muli %sub3A_472, %mul3A_473 : i32
      %add3A_475 = arith.addi %mul3A_2, %mul3A_474 : i32
      %dma_wait3A_476 = arith.constant 0 : i32
      %dma_wait3A_477 = arith.constant 0 : i32
      %dma_wait3A_478 = arith.constant 0 : i32
      %dma_wait3A_479 = tpu.memref_slice %arg6[%dma_wait3A_476, %dma_wait3A_477, %dma_wait3A_478] : memref<8x8x1024xf32, #tpu.memory_space<vmem>> -> memref<1x8x1024xf32, #tpu.memory_space<vmem>>
      %dma_wait3A_480 = tpu.memref_squeeze %dma_wait3A_479 : memref<1x8x1024xf32, #tpu.memory_space<vmem>> -> memref<8x1024xf32, #tpu.memory_space<vmem>>
      %dma_wait3A_481 = arith.constant 0 : i32
      %dma_wait3A_482 = tpu.memref_slice %arg4[%add3A_475, %dma_wait3A_481] : memref<32768x1024xf32, #tpu.memory_space<hbm>> -> memref<8x1024xf32, #tpu.memory_space<hbm>>
      %dma_wait3A_483 = arith.constant 0 : i32
      %dma_wait3A_484 = tpu.memref_slice %arg4[%add3A_475, %dma_wait3A_483] : memref<32768x1024xf32, #tpu.memory_space<hbm>> -> memref<8x1024xf32, #tpu.memory_space<hbm>>
      %dma_wait3A_485 = arith.constant 0 : i32
      %dma_wait3A_486 = arith.constant 0 : i32
      %dma_wait3A_487 = tpu.memref_slice %arg6[%dma_wait3A_476, %dma_wait3A_485, %dma_wait3A_486] : memref<8x8x1024xf32, #tpu.memory_space<vmem>> -> memref<1x8x1024xf32, #tpu.memory_space<vmem>>
      %dma_wait3A_488 = tpu.memref_squeeze %dma_wait3A_487 : memref<1x8x1024xf32, #tpu.memory_space<vmem>> -> memref<8x1024xf32, #tpu.memory_space<vmem>>
      tpu.wait_dma2 semaphore(%arg15 : memref<!tpu.dma_semaphore, #tpu.memory_space<semaphore_mem>>) src(%dma_wait3A_488 : memref<8x1024xf32, #tpu.memory_space<vmem>>) dst(%dma_wait3A_484 : memref<8x1024xf32, #tpu.memory_space<hbm>>)
      %sub3A_489 = arith.constant 3 : i32
      %sub3A_490 = arith.subi %add3A_444, %sub3A_489 : i32
      %add3A_491 = arith.constant 8 : i32
      %add3A_492 = arith.addi %sub3A_490, %add3A_491 : i32
      %dma_start3A_493 = arith.constant 0 : i32
      %dma_start3A_494 = arith.constant 0 : i32
      %dma_start3A_495 = arith.constant 0 : i32
      %dma_start3A_496 = tpu.memref_slice %arg6[%dma_start3A_493, %dma_start3A_494, %dma_start3A_495] : memref<8x8x1024xf32, #tpu.memory_space<vmem>> -> memref<1x8x1024xf32, #tpu.memory_space<vmem>>
      %dma_start3A_497 = tpu.memref_squeeze %dma_start3A_496 : memref<1x8x1024xf32, #tpu.memory_space<vmem>> -> memref<8x1024xf32, #tpu.memory_space<vmem>>
      %dma_start3A_498 = arith.constant 0 : i32
      %dma_start3A_499 = tpu.memref_slice %arg5[%add3A_492, %dma_start3A_498] : memref<128x8xi32, #tpu.memory_space<vmem>> -> memref<1x8xi32, #tpu.memory_space<vmem>>
      %dma_start3A_500 = tpu.memref_squeeze %dma_start3A_499 : memref<1x8xi32, #tpu.memory_space<vmem>> -> memref<8xi32, #tpu.memory_space<vmem>>
      %dma_start3A_501 = arith.constant 0 : i32
      %dma_start3A_502 = arith.constant 0 : i32
      %dma_start3A_503 = tpu.memref_slice %arg2[%dma_start3A_501, %dma_start3A_502] : memref<8192x1024xf32, #tpu.memory_space<hbm>> -> memref<8192x1024xf32, #tpu.memory_space<hbm>>
      tpu.enqueue_indirect_dma source(%dma_start3A_503 : memref<8192x1024xf32, #tpu.memory_space<hbm>>) target(%dma_start3A_497 : memref<8x1024xf32, #tpu.memory_space<vmem>>) offsets(%dma_start3A_500 : memref<8xi32, #tpu.memory_space<vmem>>) semaphore(%arg7 : memref<!tpu.dma_semaphore, #tpu.memory_space<semaphore_mem>>)
      %mul3A_504 = arith.constant 8 : i32
      %mul3A_505 = arith.muli %scan3A_438, %mul3A_504 : i32
      %add3A_506 = arith.constant 3 : i32
      %add3A_507 = arith.addi %add3A_506, %mul3A_505 : i32
      %add3A_508 = arith.constant 1 : i32
      %add3A_509 = arith.addi %add3A_507, %add3A_508 : i32
      %dma_wait3A_510 = arith.constant 4 : i32
      %dma_wait3A_511 = arith.constant 0 : i32
      %dma_wait3A_512 = arith.constant 0 : i32
      %dma_wait3A_513 = tpu.memref_slice %arg6[%dma_wait3A_510, %dma_wait3A_511, %dma_wait3A_512] : memref<8x8x1024xf32, #tpu.memory_space<vmem>> -> memref<1x8x1024xf32, #tpu.memory_space<vmem>>
      %dma_wait3A_514 = tpu.memref_squeeze %dma_wait3A_513 : memref<1x8x1024xf32, #tpu.memory_space<vmem>> -> memref<8x1024xf32, #tpu.memory_space<vmem>>
      %dma_wait3A_515 = arith.constant 0 : i32
      %dma_wait3A_516 = tpu.memref_slice %arg5[%add3A_509, %dma_wait3A_515] : memref<128x8xi32, #tpu.memory_space<vmem>> -> memref<1x8xi32, #tpu.memory_space<vmem>>
      %dma_wait3A_517 = tpu.memref_squeeze %dma_wait3A_516 : memref<1x8xi32, #tpu.memory_space<vmem>> -> memref<8xi32, #tpu.memory_space<vmem>>
      %dma_wait3A_518 = arith.constant 0 : i32
      %dma_wait3A_519 = arith.constant 0 : i32
      %dma_wait3A_520 = tpu.memref_slice %arg2[%dma_wait3A_518, %dma_wait3A_519] : memref<8192x1024xf32, #tpu.memory_space<hbm>> -> memref<8192x1024xf32, #tpu.memory_space<hbm>>
      tpu.wait_indirect_dma semaphore(%arg11 : memref<!tpu.dma_semaphore, #tpu.memory_space<semaphore_mem>>) src(%dma_wait3A_520 : memref<8192x1024xf32, #tpu.memory_space<hbm>>) dst(%dma_wait3A_514 : memref<8x1024xf32, #tpu.memory_space<vmem>>)
      %mul3A_521 = arith.constant 8 : i32
      %mul3A_522 = arith.muli %add3A_509, %mul3A_521 : i32
      %add3A_523 = arith.addi %mul3A_2, %mul3A_522 : i32
      %dma_start3A_524 = arith.constant 4 : i32
      %dma_start3A_525 = arith.constant 0 : i32
      %dma_start3A_526 = arith.constant 0 : i32
      %dma_start3A_527 = tpu.memref_slice %arg6[%dma_start3A_524, %dma_start3A_525, %dma_start3A_526] : memref<8x8x1024xf32, #tpu.memory_space<vmem>> -> memref<1x8x1024xf32, #tpu.memory_space<vmem>>
      %dma_start3A_528 = tpu.memref_squeeze %dma_start3A_527 : memref<1x8x1024xf32, #tpu.memory_space<vmem>> -> memref<8x1024xf32, #tpu.memory_space<vmem>>
      %dma_start3A_529 = arith.constant 0 : i32
      %dma_start3A_530 = tpu.memref_slice %arg4[%add3A_523, %dma_start3A_529] : memref<32768x1024xf32, #tpu.memory_space<hbm>> -> memref<8x1024xf32, #tpu.memory_space<hbm>>
      %dma_start3A_531 = arith.constant 0 : i32
      %dma_start3A_532 = tpu.memref_slice %arg4[%add3A_523, %dma_start3A_531] : memref<32768x1024xf32, #tpu.memory_space<hbm>> -> memref<8x1024xf32, #tpu.memory_space<hbm>>
      %dma_start3A_533 = arith.constant 0 : i32
      %dma_start3A_534 = arith.constant 0 : i32
      %dma_start3A_535 = tpu.memref_slice %arg6[%dma_start3A_524, %dma_start3A_533, %dma_start3A_534] : memref<8x8x1024xf32, #tpu.memory_space<vmem>> -> memref<1x8x1024xf32, #tpu.memory_space<vmem>>
      %dma_start3A_536 = tpu.memref_squeeze %dma_start3A_535 : memref<1x8x1024xf32, #tpu.memory_space<vmem>> -> memref<8x1024xf32, #tpu.memory_space<vmem>>
      tpu.enqueue_dma source(%dma_start3A_536 : memref<8x1024xf32, #tpu.memory_space<vmem>>) target(%dma_start3A_532 : memref<8x1024xf32, #tpu.memory_space<hbm>>) target_semaphore(%arg19 : memref<!tpu.dma_semaphore, #tpu.memory_space<semaphore_mem>>)
      %sub3A_537 = arith.constant 3 : i32
      %sub3A_538 = arith.subi %add3A_509, %sub3A_537 : i32
      %mul3A_539 = arith.constant 8 : i32
      %mul3A_540 = arith.muli %sub3A_538, %mul3A_539 : i32
      %add3A_541 = arith.addi %mul3A_2, %mul3A_540 : i32
      %dma_wait3A_542 = arith.constant 1 : i32
      %dma_wait3A_543 = arith.constant 0 : i32
      %dma_wait3A_544 = arith.constant 0 : i32
      %dma_wait3A_545 = tpu.memref_slice %arg6[%dma_wait3A_542, %dma_wait3A_543, %dma_wait3A_544] : memref<8x8x1024xf32, #tpu.memory_space<vmem>> -> memref<1x8x1024xf32, #tpu.memory_space<vmem>>
      %dma_wait3A_546 = tpu.memref_squeeze %dma_wait3A_545 : memref<1x8x1024xf32, #tpu.memory_space<vmem>> -> memref<8x1024xf32, #tpu.memory_space<vmem>>
      %dma_wait3A_547 = arith.constant 0 : i32
      %dma_wait3A_548 = tpu.memref_slice %arg4[%add3A_541, %dma_wait3A_547] : memref<32768x1024xf32, #tpu.memory_space<hbm>> -> memref<8x1024xf32, #tpu.memory_space<hbm>>
      %dma_wait3A_549 = arith.constant 0 : i32
      %dma_wait3A_550 = tpu.memref_slice %arg4[%add3A_541, %dma_wait3A_549] : memref<32768x1024xf32, #tpu.memory_space<hbm>> -> memref<8x1024xf32, #tpu.memory_space<hbm>>
      %dma_wait3A_551 = arith.constant 0 : i32
      %dma_wait3A_552 = arith.constant 0 : i32
      %dma_wait3A_553 = tpu.memref_slice %arg6[%dma_wait3A_542, %dma_wait3A_551, %dma_wait3A_552] : memref<8x8x1024xf32, #tpu.memory_space<vmem>> -> memref<1x8x1024xf32, #tpu.memory_space<vmem>>
      %dma_wait3A_554 = tpu.memref_squeeze %dma_wait3A_553 : memref<1x8x1024xf32, #tpu.memory_space<vmem>> -> memref<8x1024xf32, #tpu.memory_space<vmem>>
      tpu.wait_dma2 semaphore(%arg16 : memref<!tpu.dma_semaphore, #tpu.memory_space<semaphore_mem>>) src(%dma_wait3A_554 : memref<8x1024xf32, #tpu.memory_space<vmem>>) dst(%dma_wait3A_550 : memref<8x1024xf32, #tpu.memory_space<hbm>>)
      %sub3A_555 = arith.constant 3 : i32
      %sub3A_556 = arith.subi %add3A_509, %sub3A_555 : i32
      %add3A_557 = arith.constant 8 : i32
      %add3A_558 = arith.addi %sub3A_556, %add3A_557 : i32
      %dma_start3A_559 = arith.constant 1 : i32
      %dma_start3A_560 = arith.constant 0 : i32
      %dma_start3A_561 = arith.constant 0 : i32
      %dma_start3A_562 = tpu.memref_slice %arg6[%dma_start3A_559, %dma_start3A_560, %dma_start3A_561] : memref<8x8x1024xf32, #tpu.memory_space<vmem>> -> memref<1x8x1024xf32, #tpu.memory_space<vmem>>
      %dma_start3A_563 = tpu.memref_squeeze %dma_start3A_562 : memref<1x8x1024xf32, #tpu.memory_space<vmem>> -> memref<8x1024xf32, #tpu.memory_space<vmem>>
      %dma_start3A_564 = arith.constant 0 : i32
      %dma_start3A_565 = tpu.memref_slice %arg5[%add3A_558, %dma_start3A_564] : memref<128x8xi32, #tpu.memory_space<vmem>> -> memref<1x8xi32, #tpu.memory_space<vmem>>
      %dma_start3A_566 = tpu.memref_squeeze %dma_start3A_565 : memref<1x8xi32, #tpu.memory_space<vmem>> -> memref<8xi32, #tpu.memory_space<vmem>>
      %dma_start3A_567 = arith.constant 0 : i32
      %dma_start3A_568 = arith.constant 0 : i32
      %dma_start3A_569 = tpu.memref_slice %arg2[%dma_start3A_567, %dma_start3A_568] : memref<8192x1024xf32, #tpu.memory_space<hbm>> -> memref<8192x1024xf32, #tpu.memory_space<hbm>>
      tpu.enqueue_indirect_dma source(%dma_start3A_569 : memref<8192x1024xf32, #tpu.memory_space<hbm>>) target(%dma_start3A_563 : memref<8x1024xf32, #tpu.memory_space<vmem>>) offsets(%dma_start3A_566 : memref<8xi32, #tpu.memory_space<vmem>>) semaphore(%arg8 : memref<!tpu.dma_semaphore, #tpu.memory_space<semaphore_mem>>)
      %mul3A_570 = arith.constant 8 : i32
      %mul3A_571 = arith.muli %scan3A_438, %mul3A_570 : i32
      %add3A_572 = arith.constant 3 : i32
      %add3A_573 = arith.addi %add3A_572, %mul3A_571 : i32
      %add3A_574 = arith.constant 2 : i32
      %add3A_575 = arith.addi %add3A_573, %add3A_574 : i32
      %dma_wait3A_576 = arith.constant 5 : i32
      %dma_wait3A_577 = arith.constant 0 : i32
      %dma_wait3A_578 = arith.constant 0 : i32
      %dma_wait3A_579 = tpu.memref_slice %arg6[%dma_wait3A_576, %dma_wait3A_577, %dma_wait3A_578] : memref<8x8x1024xf32, #tpu.memory_space<vmem>> -> memref<1x8x1024xf32, #tpu.memory_space<vmem>>
      %dma_wait3A_580 = tpu.memref_squeeze %dma_wait3A_579 : memref<1x8x1024xf32, #tpu.memory_space<vmem>> -> memref<8x1024xf32, #tpu.memory_space<vmem>>
      %dma_wait3A_581 = arith.constant 0 : i32
      %dma_wait3A_582 = tpu.memref_slice %arg5[%add3A_575, %dma_wait3A_581] : memref<128x8xi32, #tpu.memory_space<vmem>> -> memref<1x8xi32, #tpu.memory_space<vmem>>
      %dma_wait3A_583 = tpu.memref_squeeze %dma_wait3A_582 : memref<1x8xi32, #tpu.memory_space<vmem>> -> memref<8xi32, #tpu.memory_space<vmem>>
      %dma_wait3A_584 = arith.constant 0 : i32
      %dma_wait3A_585 = arith.constant 0 : i32
      %dma_wait3A_586 = tpu.memref_slice %arg2[%dma_wait3A_584, %dma_wait3A_585] : memref<8192x1024xf32, #tpu.memory_space<hbm>> -> memref<8192x1024xf32, #tpu.memory_space<hbm>>
      tpu.wait_indirect_dma semaphore(%arg12 : memref<!tpu.dma_semaphore, #tpu.memory_space<semaphore_mem>>) src(%dma_wait3A_586 : memref<8192x1024xf32, #tpu.memory_space<hbm>>) dst(%dma_wait3A_580 : memref<8x1024xf32, #tpu.memory_space<vmem>>)
      %mul3A_587 = arith.constant 8 : i32
      %mul3A_588 = arith.muli %add3A_575, %mul3A_587 : i32
      %add3A_589 = arith.addi %mul3A_2, %mul3A_588 : i32
      %dma_start3A_590 = arith.constant 5 : i32
      %dma_start3A_591 = arith.constant 0 : i32
      %dma_start3A_592 = arith.constant 0 : i32
      %dma_start3A_593 = tpu.memref_slice %arg6[%dma_start3A_590, %dma_start3A_591, %dma_start3A_592] : memref<8x8x1024xf32, #tpu.memory_space<vmem>> -> memref<1x8x1024xf32, #tpu.memory_space<vmem>>
      %dma_start3A_594 = tpu.memref_squeeze %dma_start3A_593 : memref<1x8x1024xf32, #tpu.memory_space<vmem>> -> memref<8x1024xf32, #tpu.memory_space<vmem>>
      %dma_start3A_595 = arith.constant 0 : i32
      %dma_start3A_596 = tpu.memref_slice %arg4[%add3A_589, %dma_start3A_595] : memref<32768x1024xf32, #tpu.memory_space<hbm>> -> memref<8x1024xf32, #tpu.memory_space<hbm>>
      %dma_start3A_597 = arith.constant 0 : i32
      %dma_start3A_598 = tpu.memref_slice %arg4[%add3A_589, %dma_start3A_597] : memref<32768x1024xf32, #tpu.memory_space<hbm>> -> memref<8x1024xf32, #tpu.memory_space<hbm>>
      %dma_start3A_599 = arith.constant 0 : i32
      %dma_start3A_600 = arith.constant 0 : i32
      %dma_start3A_601 = tpu.memref_slice %arg6[%dma_start3A_590, %dma_start3A_599, %dma_start3A_600] : memref<8x8x1024xf32, #tpu.memory_space<vmem>> -> memref<1x8x1024xf32, #tpu.memory_space<vmem>>
      %dma_start3A_602 = tpu.memref_squeeze %dma_start3A_601 : memref<1x8x1024xf32, #tpu.memory_space<vmem>> -> memref<8x1024xf32, #tpu.memory_space<vmem>>
      tpu.enqueue_dma source(%dma_start3A_602 : memref<8x1024xf32, #tpu.memory_space<vmem>>) target(%dma_start3A_598 : memref<8x1024xf32, #tpu.memory_space<hbm>>) target_semaphore(%arg20 : memref<!tpu.dma_semaphore, #tpu.memory_space<semaphore_mem>>)
      %sub3A_603 = arith.constant 3 : i32
      %sub3A_604 = arith.subi %add3A_575, %sub3A_603 : i32
      %mul3A_605 = arith.constant 8 : i32
      %mul3A_606 = arith.muli %sub3A_604, %mul3A_605 : i32
      %add3A_607 = arith.addi %mul3A_2, %mul3A_606 : i32
      %dma_wait3A_608 = arith.constant 2 : i32
      %dma_wait3A_609 = arith.constant 0 : i32
      %dma_wait3A_610 = arith.constant 0 : i32
      %dma_wait3A_611 = tpu.memref_slice %arg6[%dma_wait3A_608, %dma_wait3A_609, %dma_wait3A_610] : memref<8x8x1024xf32, #tpu.memory_space<vmem>> -> memref<1x8x1024xf32, #tpu.memory_space<vmem>>
      %dma_wait3A_612 = tpu.memref_squeeze %dma_wait3A_611 : memref<1x8x1024xf32, #tpu.memory_space<vmem>> -> memref<8x1024xf32, #tpu.memory_space<vmem>>
      %dma_wait3A_613 = arith.constant 0 : i32
      %dma_wait3A_614 = tpu.memref_slice %arg4[%add3A_607, %dma_wait3A_613] : memref<32768x1024xf32, #tpu.memory_space<hbm>> -> memref<8x1024xf32, #tpu.memory_space<hbm>>
      %dma_wait3A_615 = arith.constant 0 : i32
      %dma_wait3A_616 = tpu.memref_slice %arg4[%add3A_607, %dma_wait3A_615] : memref<32768x1024xf32, #tpu.memory_space<hbm>> -> memref<8x1024xf32, #tpu.memory_space<hbm>>
      %dma_wait3A_617 = arith.constant 0 : i32
      %dma_wait3A_618 = arith.constant 0 : i32
      %dma_wait3A_619 = tpu.memref_slice %arg6[%dma_wait3A_608, %dma_wait3A_617, %dma_wait3A_618] : memref<8x8x1024xf32, #tpu.memory_space<vmem>> -> memref<1x8x1024xf32, #tpu.memory_space<vmem>>
      %dma_wait3A_620 = tpu.memref_squeeze %dma_wait3A_619 : memref<1x8x1024xf32, #tpu.memory_space<vmem>> -> memref<8x1024xf32, #tpu.memory_space<vmem>>
      tpu.wait_dma2 semaphore(%arg17 : memref<!tpu.dma_semaphore, #tpu.memory_space<semaphore_mem>>) src(%dma_wait3A_620 : memref<8x1024xf32, #tpu.memory_space<vmem>>) dst(%dma_wait3A_616 : memref<8x1024xf32, #tpu.memory_space<hbm>>)
      %sub3A_621 = arith.constant 3 : i32
      %sub3A_622 = arith.subi %add3A_575, %sub3A_621 : i32
      %add3A_623 = arith.constant 8 : i32
      %add3A_624 = arith.addi %sub3A_622, %add3A_623 : i32
      %dma_start3A_625 = arith.constant 2 : i32
      %dma_start3A_626 = arith.constant 0 : i32
      %dma_start3A_627 = arith.constant 0 : i32
      %dma_start3A_628 = tpu.memref_slice %arg6[%dma_start3A_625, %dma_start3A_626, %dma_start3A_627] : memref<8x8x1024xf32, #tpu.memory_space<vmem>> -> memref<1x8x1024xf32, #tpu.memory_space<vmem>>
      %dma_start3A_629 = tpu.memref_squeeze %dma_start3A_628 : memref<1x8x1024xf32, #tpu.memory_space<vmem>> -> memref<8x1024xf32, #tpu.memory_space<vmem>>
      %dma_start3A_630 = arith.constant 0 : i32
      %dma_start3A_631 = tpu.memref_slice %arg5[%add3A_624, %dma_start3A_630] : memref<128x8xi32, #tpu.memory_space<vmem>> -> memref<1x8xi32, #tpu.memory_space<vmem>>
      %dma_start3A_632 = tpu.memref_squeeze %dma_start3A_631 : memref<1x8xi32, #tpu.memory_space<vmem>> -> memref<8xi32, #tpu.memory_space<vmem>>
      %dma_start3A_633 = arith.constant 0 : i32
      %dma_start3A_634 = arith.constant 0 : i32
      %dma_start3A_635 = tpu.memref_slice %arg2[%dma_start3A_633, %dma_start3A_634] : memref<8192x1024xf32, #tpu.memory_space<hbm>> -> memref<8192x1024xf32, #tpu.memory_space<hbm>>
      tpu.enqueue_indirect_dma source(%dma_start3A_635 : memref<8192x1024xf32, #tpu.memory_space<hbm>>) target(%dma_start3A_629 : memref<8x1024xf32, #tpu.memory_space<vmem>>) offsets(%dma_start3A_632 : memref<8xi32, #tpu.memory_space<vmem>>) semaphore(%arg9 : memref<!tpu.dma_semaphore, #tpu.memory_space<semaphore_mem>>)
      %mul3A_636 = arith.constant 8 : i32
      %mul3A_637 = arith.muli %scan3A_438, %mul3A_636 : i32
      %add3A_638 = arith.constant 3 : i32
      %add3A_639 = arith.addi %add3A_638, %mul3A_637 : i32
      %add3A_640 = arith.constant 3 : i32
      %add3A_641 = arith.addi %add3A_639, %add3A_640 : i32
      %dma_wait3A_642 = arith.constant 6 : i32
      %dma_wait3A_643 = arith.constant 0 : i32
      %dma_wait3A_644 = arith.constant 0 : i32
      %dma_wait3A_645 = tpu.memref_slice %arg6[%dma_wait3A_642, %dma_wait3A_643, %dma_wait3A_644] : memref<8x8x1024xf32, #tpu.memory_space<vmem>> -> memref<1x8x1024xf32, #tpu.memory_space<vmem>>
      %dma_wait3A_646 = tpu.memref_squeeze %dma_wait3A_645 : memref<1x8x1024xf32, #tpu.memory_space<vmem>> -> memref<8x1024xf32, #tpu.memory_space<vmem>>
      %dma_wait3A_647 = arith.constant 0 : i32
      %dma_wait3A_648 = tpu.memref_slice %arg5[%add3A_641, %dma_wait3A_647] : memref<128x8xi32, #tpu.memory_space<vmem>> -> memref<1x8xi32, #tpu.memory_space<vmem>>
      %dma_wait3A_649 = tpu.memref_squeeze %dma_wait3A_648 : memref<1x8xi32, #tpu.memory_space<vmem>> -> memref<8xi32, #tpu.memory_space<vmem>>
      %dma_wait3A_650 = arith.constant 0 : i32
      %dma_wait3A_651 = arith.constant 0 : i32
      %dma_wait3A_652 = tpu.memref_slice %arg2[%dma_wait3A_650, %dma_wait3A_651] : memref<8192x1024xf32, #tpu.memory_space<hbm>> -> memref<8192x1024xf32, #tpu.memory_space<hbm>>
      tpu.wait_indirect_dma semaphore(%arg13 : memref<!tpu.dma_semaphore, #tpu.memory_space<semaphore_mem>>) src(%dma_wait3A_652 : memref<8192x1024xf32, #tpu.memory_space<hbm>>) dst(%dma_wait3A_646 : memref<8x1024xf32, #tpu.memory_space<vmem>>)
      %mul3A_653 = arith.constant 8 : i32
      %mul3A_654 = arith.muli %add3A_641, %mul3A_653 : i32
      %add3A_655 = arith.addi %mul3A_2, %mul3A_654 : i32
      %dma_start3A_656 = arith.constant 6 : i32
      %dma_start3A_657 = arith.constant 0 : i32
      %dma_start3A_658 = arith.constant 0 : i32
      %dma_start3A_659 = tpu.memref_slice %arg6[%dma_start3A_656, %dma_start3A_657, %dma_start3A_658] : memref<8x8x1024xf32, #tpu.memory_space<vmem>> -> memref<1x8x1024xf32, #tpu.memory_space<vmem>>
      %dma_start3A_660 = tpu.memref_squeeze %dma_start3A_659 : memref<1x8x1024xf32, #tpu.memory_space<vmem>> -> memref<8x1024xf32, #tpu.memory_space<vmem>>
      %dma_start3A_661 = arith.constant 0 : i32
      %dma_start3A_662 = tpu.memref_slice %arg4[%add3A_655, %dma_start3A_661] : memref<32768x1024xf32, #tpu.memory_space<hbm>> -> memref<8x1024xf32, #tpu.memory_space<hbm>>
      %dma_start3A_663 = arith.constant 0 : i32
      %dma_start3A_664 = tpu.memref_slice %arg4[%add3A_655, %dma_start3A_663] : memref<32768x1024xf32, #tpu.memory_space<hbm>> -> memref<8x1024xf32, #tpu.memory_space<hbm>>
      %dma_start3A_665 = arith.constant 0 : i32
      %dma_start3A_666 = arith.constant 0 : i32
      %dma_start3A_667 = tpu.memref_slice %arg6[%dma_start3A_656, %dma_start3A_665, %dma_start3A_666] : memref<8x8x1024xf32, #tpu.memory_space<vmem>> -> memref<1x8x1024xf32, #tpu.memory_space<vmem>>
      %dma_start3A_668 = tpu.memref_squeeze %dma_start3A_667 : memref<1x8x1024xf32, #tpu.memory_space<vmem>> -> memref<8x1024xf32, #tpu.memory_space<vmem>>
      tpu.enqueue_dma source(%dma_start3A_668 : memref<8x1024xf32, #tpu.memory_space<vmem>>) target(%dma_start3A_664 : memref<8x1024xf32, #tpu.memory_space<hbm>>) target_semaphore(%arg21 : memref<!tpu.dma_semaphore, #tpu.memory_space<semaphore_mem>>)
      %sub3A_669 = arith.constant 3 : i32
      %sub3A_670 = arith.subi %add3A_641, %sub3A_669 : i32
      %mul3A_671 = arith.constant 8 : i32
      %mul3A_672 = arith.muli %sub3A_670, %mul3A_671 : i32
      %add3A_673 = arith.addi %mul3A_2, %mul3A_672 : i32
      %dma_wait3A_674 = arith.constant 3 : i32
      %dma_wait3A_675 = arith.constant 0 : i32
      %dma_wait3A_676 = arith.constant 0 : i32
      %dma_wait3A_677 = tpu.memref_slice %arg6[%dma_wait3A_674, %dma_wait3A_675, %dma_wait3A_676] : memref<8x8x1024xf32, #tpu.memory_space<vmem>> -> memref<1x8x1024xf32, #tpu.memory_space<vmem>>
      %dma_wait3A_678 = tpu.memref_squeeze %dma_wait3A_677 : memref<1x8x1024xf32, #tpu.memory_space<vmem>> -> memref<8x1024xf32, #tpu.memory_space<vmem>>
      %dma_wait3A_679 = arith.constant 0 : i32
      %dma_wait3A_680 = tpu.memref_slice %arg4[%add3A_673, %dma_wait3A_679] : memref<32768x1024xf32, #tpu.memory_space<hbm>> -> memref<8x1024xf32, #tpu.memory_space<hbm>>
      %dma_wait3A_681 = arith.constant 0 : i32
      %dma_wait3A_682 = tpu.memref_slice %arg4[%add3A_673, %dma_wait3A_681] : memref<32768x1024xf32, #tpu.memory_space<hbm>> -> memref<8x1024xf32, #tpu.memory_space<hbm>>
      %dma_wait3A_683 = arith.constant 0 : i32
      %dma_wait3A_684 = arith.constant 0 : i32
      %dma_wait3A_685 = tpu.memref_slice %arg6[%dma_wait3A_674, %dma_wait3A_683, %dma_wait3A_684] : memref<8x8x1024xf32, #tpu.memory_space<vmem>> -> memref<1x8x1024xf32, #tpu.memory_space<vmem>>
      %dma_wait3A_686 = tpu.memref_squeeze %dma_wait3A_685 : memref<1x8x1024xf32, #tpu.memory_space<vmem>> -> memref<8x1024xf32, #tpu.memory_space<vmem>>
      tpu.wait_dma2 semaphore(%arg18 : memref<!tpu.dma_semaphore, #tpu.memory_space<semaphore_mem>>) src(%dma_wait3A_686 : memref<8x1024xf32, #tpu.memory_space<vmem>>) dst(%dma_wait3A_682 : memref<8x1024xf32, #tpu.memory_space<hbm>>)
      %sub3A_687 = arith.constant 3 : i32
      %sub3A_688 = arith.subi %add3A_641, %sub3A_687 : i32
      %add3A_689 = arith.constant 8 : i32
      %add3A_690 = arith.addi %sub3A_688, %add3A_689 : i32
      %dma_start3A_691 = arith.constant 3 : i32
      %dma_start3A_692 = arith.constant 0 : i32
      %dma_start3A_693 = arith.constant 0 : i32
      %dma_start3A_694 = tpu.memref_slice %arg6[%dma_start3A_691, %dma_start3A_692, %dma_start3A_693] : memref<8x8x1024xf32, #tpu.memory_space<vmem>> -> memref<1x8x1024xf32, #tpu.memory_space<vmem>>
      %dma_start3A_695 = tpu.memref_squeeze %dma_start3A_694 : memref<1x8x1024xf32, #tpu.memory_space<vmem>> -> memref<8x1024xf32, #tpu.memory_space<vmem>>
      %dma_start3A_696 = arith.constant 0 : i32
      %dma_start3A_697 = tpu.memref_slice %arg5[%add3A_690, %dma_start3A_696] : memref<128x8xi32, #tpu.memory_space<vmem>> -> memref<1x8xi32, #tpu.memory_space<vmem>>
      %dma_start3A_698 = tpu.memref_squeeze %dma_start3A_697 : memref<1x8xi32, #tpu.memory_space<vmem>> -> memref<8xi32, #tpu.memory_space<vmem>>
      %dma_start3A_699 = arith.constant 0 : i32
      %dma_start3A_700 = arith.constant 0 : i32
      %dma_start3A_701 = tpu.memref_slice %arg2[%dma_start3A_699, %dma_start3A_700] : memref<8192x1024xf32, #tpu.memory_space<hbm>> -> memref<8192x1024xf32, #tpu.memory_space<hbm>>
      tpu.enqueue_indirect_dma source(%dma_start3A_701 : memref<8192x1024xf32, #tpu.memory_space<hbm>>) target(%dma_start3A_695 : memref<8x1024xf32, #tpu.memory_space<vmem>>) offsets(%dma_start3A_698 : memref<8xi32, #tpu.memory_space<vmem>>) semaphore(%arg10 : memref<!tpu.dma_semaphore, #tpu.memory_space<semaphore_mem>>)
      %mul3A_702 = arith.constant 8 : i32
      %mul3A_703 = arith.muli %scan3A_438, %mul3A_702 : i32
      %add3A_704 = arith.constant 3 : i32
      %add3A_705 = arith.addi %add3A_704, %mul3A_703 : i32
      %add3A_706 = arith.constant 4 : i32
      %add3A_707 = arith.addi %add3A_705, %add3A_706 : i32
      %dma_wait3A_708 = arith.constant 7 : i32
      %dma_wait3A_709 = arith.constant 0 : i32
      %dma_wait3A_710 = arith.constant 0 : i32
      %dma_wait3A_711 = tpu.memref_slice %arg6[%dma_wait3A_708, %dma_wait3A_709, %dma_wait3A_710] : memref<8x8x1024xf32, #tpu.memory_space<vmem>> -> memref<1x8x1024xf32, #tpu.memory_space<vmem>>
      %dma_wait3A_712 = tpu.memref_squeeze %dma_wait3A_711 : memref<1x8x1024xf32, #tpu.memory_space<vmem>> -> memref<8x1024xf32, #tpu.memory_space<vmem>>
      %dma_wait3A_713 = arith.constant 0 : i32
      %dma_wait3A_714 = tpu.memref_slice %arg5[%add3A_707, %dma_wait3A_713] : memref<128x8xi32, #tpu.memory_space<vmem>> -> memref<1x8xi32, #tpu.memory_space<vmem>>
      %dma_wait3A_715 = tpu.memref_squeeze %dma_wait3A_714 : memref<1x8xi32, #tpu.memory_space<vmem>> -> memref<8xi32, #tpu.memory_space<vmem>>
      %dma_wait3A_716 = arith.constant 0 : i32
      %dma_wait3A_717 = arith.constant 0 : i32
      %dma_wait3A_718 = tpu.memref_slice %arg2[%dma_wait3A_716, %dma_wait3A_717] : memref<8192x1024xf32, #tpu.memory_space<hbm>> -> memref<8192x1024xf32, #tpu.memory_space<hbm>>
      tpu.wait_indirect_dma semaphore(%arg14 : memref<!tpu.dma_semaphore, #tpu.memory_space<semaphore_mem>>) src(%dma_wait3A_718 : memref<8192x1024xf32, #tpu.memory_space<hbm>>) dst(%dma_wait3A_712 : memref<8x1024xf32, #tpu.memory_space<vmem>>)
      %mul3A_719 = arith.constant 8 : i32
      %mul3A_720 = arith.muli %add3A_707, %mul3A_719 : i32
      %add3A_721 = arith.addi %mul3A_2, %mul3A_720 : i32
      %dma_start3A_722 = arith.constant 7 : i32
      %dma_start3A_723 = arith.constant 0 : i32
      %dma_start3A_724 = arith.constant 0 : i32
      %dma_start3A_725 = tpu.memref_slice %arg6[%dma_start3A_722, %dma_start3A_723, %dma_start3A_724] : memref<8x8x1024xf32, #tpu.memory_space<vmem>> -> memref<1x8x1024xf32, #tpu.memory_space<vmem>>
      %dma_start3A_726 = tpu.memref_squeeze %dma_start3A_725 : memref<1x8x1024xf32, #tpu.memory_space<vmem>> -> memref<8x1024xf32, #tpu.memory_space<vmem>>
      %dma_start3A_727 = arith.constant 0 : i32
      %dma_start3A_728 = tpu.memref_slice %arg4[%add3A_721, %dma_start3A_727] : memref<32768x1024xf32, #tpu.memory_space<hbm>> -> memref<8x1024xf32, #tpu.memory_space<hbm>>
      %dma_start3A_729 = arith.constant 0 : i32
      %dma_start3A_730 = tpu.memref_slice %arg4[%add3A_721, %dma_start3A_729] : memref<32768x1024xf32, #tpu.memory_space<hbm>> -> memref<8x1024xf32, #tpu.memory_space<hbm>>
      %dma_start3A_731 = arith.constant 0 : i32
      %dma_start3A_732 = arith.constant 0 : i32
      %dma_start3A_733 = tpu.memref_slice %arg6[%dma_start3A_722, %dma_start3A_731, %dma_start3A_732] : memref<8x8x1024xf32, #tpu.memory_space<vmem>> -> memref<1x8x1024xf32, #tpu.memory_space<vmem>>
      %dma_start3A_734 = tpu.memref_squeeze %dma_start3A_733 : memref<1x8x1024xf32, #tpu.memory_space<vmem>> -> memref<8x1024xf32, #tpu.memory_space<vmem>>
      tpu.enqueue_dma source(%dma_start3A_734 : memref<8x1024xf32, #tpu.memory_space<vmem>>) target(%dma_start3A_730 : memref<8x1024xf32, #tpu.memory_space<hbm>>) target_semaphore(%arg22 : memref<!tpu.dma_semaphore, #tpu.memory_space<semaphore_mem>>)
      %sub3A_735 = arith.constant 3 : i32
      %sub3A_736 = arith.subi %add3A_707, %sub3A_735 : i32
      %mul3A_737 = arith.constant 8 : i32
      %mul3A_738 = arith.muli %sub3A_736, %mul3A_737 : i32
      %add3A_739 = arith.addi %mul3A_2, %mul3A_738 : i32
      %dma_wait3A_740 = arith.constant 4 : i32
      %dma_wait3A_741 = arith.constant 0 : i32
      %dma_wait3A_742 = arith.constant 0 : i32
      %dma_wait3A_743 = tpu.memref_slice %arg6[%dma_wait3A_740, %dma_wait3A_741, %dma_wait3A_742] : memref<8x8x1024xf32, #tpu.memory_space<vmem>> -> memref<1x8x1024xf32, #tpu.memory_space<vmem>>
      %dma_wait3A_744 = tpu.memref_squeeze %dma_wait3A_743 : memref<1x8x1024xf32, #tpu.memory_space<vmem>> -> memref<8x1024xf32, #tpu.memory_space<vmem>>
      %dma_wait3A_745 = arith.constant 0 : i32
      %dma_wait3A_746 = tpu.memref_slice %arg4[%add3A_739, %dma_wait3A_745] : memref<32768x1024xf32, #tpu.memory_space<hbm>> -> memref<8x1024xf32, #tpu.memory_space<hbm>>
      %dma_wait3A_747 = arith.constant 0 : i32
      %dma_wait3A_748 = tpu.memref_slice %arg4[%add3A_739, %dma_wait3A_747] : memref<32768x1024xf32, #tpu.memory_space<hbm>> -> memref<8x1024xf32, #tpu.memory_space<hbm>>
      %dma_wait3A_749 = arith.constant 0 : i32
      %dma_wait3A_750 = arith.constant 0 : i32
      %dma_wait3A_751 = tpu.memref_slice %arg6[%dma_wait3A_740, %dma_wait3A_749, %dma_wait3A_750] : memref<8x8x1024xf32, #tpu.memory_space<vmem>> -> memref<1x8x1024xf32, #tpu.memory_space<vmem>>
      %dma_wait3A_752 = tpu.memref_squeeze %dma_wait3A_751 : memref<1x8x1024xf32, #tpu.memory_space<vmem>> -> memref<8x1024xf32, #tpu.memory_space<vmem>>
      tpu.wait_dma2 semaphore(%arg19 : memref<!tpu.dma_semaphore, #tpu.memory_space<semaphore_mem>>) src(%dma_wait3A_752 : memref<8x1024xf32, #tpu.memory_space<vmem>>) dst(%dma_wait3A_748 : memref<8x1024xf32, #tpu.memory_space<hbm>>)
      %sub3A_753 = arith.constant 3 : i32
      %sub3A_754 = arith.subi %add3A_707, %sub3A_753 : i32
      %add3A_755 = arith.constant 8 : i32
      %add3A_756 = arith.addi %sub3A_754, %add3A_755 : i32
      %dma_start3A_757 = arith.constant 4 : i32
      %dma_start3A_758 = arith.constant 0 : i32
      %dma_start3A_759 = arith.constant 0 : i32
      %dma_start3A_760 = tpu.memref_slice %arg6[%dma_start3A_757, %dma_start3A_758, %dma_start3A_759] : memref<8x8x1024xf32, #tpu.memory_space<vmem>> -> memref<1x8x1024xf32, #tpu.memory_space<vmem>>
      %dma_start3A_761 = tpu.memref_squeeze %dma_start3A_760 : memref<1x8x1024xf32, #tpu.memory_space<vmem>> -> memref<8x1024xf32, #tpu.memory_space<vmem>>
      %dma_start3A_762 = arith.constant 0 : i32
      %dma_start3A_763 = tpu.memref_slice %arg5[%add3A_756, %dma_start3A_762] : memref<128x8xi32, #tpu.memory_space<vmem>> -> memref<1x8xi32, #tpu.memory_space<vmem>>
      %dma_start3A_764 = tpu.memref_squeeze %dma_start3A_763 : memref<1x8xi32, #tpu.memory_space<vmem>> -> memref<8xi32, #tpu.memory_space<vmem>>
      %dma_start3A_765 = arith.constant 0 : i32
      %dma_start3A_766 = arith.constant 0 : i32
      %dma_start3A_767 = tpu.memref_slice %arg2[%dma_start3A_765, %dma_start3A_766] : memref<8192x1024xf32, #tpu.memory_space<hbm>> -> memref<8192x1024xf32, #tpu.memory_space<hbm>>
      tpu.enqueue_indirect_dma source(%dma_start3A_767 : memref<8192x1024xf32, #tpu.memory_space<hbm>>) target(%dma_start3A_761 : memref<8x1024xf32, #tpu.memory_space<vmem>>) offsets(%dma_start3A_764 : memref<8xi32, #tpu.memory_space<vmem>>) semaphore(%arg11 : memref<!tpu.dma_semaphore, #tpu.memory_space<semaphore_mem>>)
      %mul3A_768 = arith.constant 8 : i32
      %mul3A_769 = arith.muli %scan3A_438, %mul3A_768 : i32
      %add3A_770 = arith.constant 3 : i32
      %add3A_771 = arith.addi %add3A_770, %mul3A_769 : i32
      %add3A_772 = arith.constant 5 : i32
      %add3A_773 = arith.addi %add3A_771, %add3A_772 : i32
      %dma_wait3A_774 = arith.constant 0 : i32
      %dma_wait3A_775 = arith.constant 0 : i32
      %dma_wait3A_776 = arith.constant 0 : i32
      %dma_wait3A_777 = tpu.memref_slice %arg6[%dma_wait3A_774, %dma_wait3A_775, %dma_wait3A_776] : memref<8x8x1024xf32, #tpu.memory_space<vmem>> -> memref<1x8x1024xf32, #tpu.memory_space<vmem>>
      %dma_wait3A_778 = tpu.memref_squeeze %dma_wait3A_777 : memref<1x8x1024xf32, #tpu.memory_space<vmem>> -> memref<8x1024xf32, #tpu.memory_space<vmem>>
      %dma_wait3A_779 = arith.constant 0 : i32
      %dma_wait3A_780 = tpu.memref_slice %arg5[%add3A_773, %dma_wait3A_779] : memref<128x8xi32, #tpu.memory_space<vmem>> -> memref<1x8xi32, #tpu.memory_space<vmem>>
      %dma_wait3A_781 = tpu.memref_squeeze %dma_wait3A_780 : memref<1x8xi32, #tpu.memory_space<vmem>> -> memref<8xi32, #tpu.memory_space<vmem>>
      %dma_wait3A_782 = arith.constant 0 : i32
      %dma_wait3A_783 = arith.constant 0 : i32
      %dma_wait3A_784 = tpu.memref_slice %arg2[%dma_wait3A_782, %dma_wait3A_783] : memref<8192x1024xf32, #tpu.memory_space<hbm>> -> memref<8192x1024xf32, #tpu.memory_space<hbm>>
      tpu.wait_indirect_dma semaphore(%arg7 : memref<!tpu.dma_semaphore, #tpu.memory_space<semaphore_mem>>) src(%dma_wait3A_784 : memref<8192x1024xf32, #tpu.memory_space<hbm>>) dst(%dma_wait3A_778 : memref<8x1024xf32, #tpu.memory_space<vmem>>)
      %mul3A_785 = arith.constant 8 : i32
      %mul3A_786 = arith.muli %add3A_773, %mul3A_785 : i32
      %add3A_787 = arith.addi %mul3A_2, %mul3A_786 : i32
      %dma_start3A_788 = arith.constant 0 : i32
      %dma_start3A_789 = arith.constant 0 : i32
      %dma_start3A_790 = arith.constant 0 : i32
      %dma_start3A_791 = tpu.memref_slice %arg6[%dma_start3A_788, %dma_start3A_789, %dma_start3A_790] : memref<8x8x1024xf32, #tpu.memory_space<vmem>> -> memref<1x8x1024xf32, #tpu.memory_space<vmem>>
      %dma_start3A_792 = tpu.memref_squeeze %dma_start3A_791 : memref<1x8x1024xf32, #tpu.memory_space<vmem>> -> memref<8x1024xf32, #tpu.memory_space<vmem>>
      %dma_start3A_793 = arith.constant 0 : i32
      %dma_start3A_794 = tpu.memref_slice %arg4[%add3A_787, %dma_start3A_793] : memref<32768x1024xf32, #tpu.memory_space<hbm>> -> memref<8x1024xf32, #tpu.memory_space<hbm>>
      %dma_start3A_795 = arith.constant 0 : i32
      %dma_start3A_796 = tpu.memref_slice %arg4[%add3A_787, %dma_start3A_795] : memref<32768x1024xf32, #tpu.memory_space<hbm>> -> memref<8x1024xf32, #tpu.memory_space<hbm>>
      %dma_start3A_797 = arith.constant 0 : i32
      %dma_start3A_798 = arith.constant 0 : i32
      %dma_start3A_799 = tpu.memref_slice %arg6[%dma_start3A_788, %dma_start3A_797, %dma_start3A_798] : memref<8x8x1024xf32, #tpu.memory_space<vmem>> -> memref<1x8x1024xf32, #tpu.memory_space<vmem>>
      %dma_start3A_800 = tpu.memref_squeeze %dma_start3A_799 : memref<1x8x1024xf32, #tpu.memory_space<vmem>> -> memref<8x1024xf32, #tpu.memory_space<vmem>>
      tpu.enqueue_dma source(%dma_start3A_800 : memref<8x1024xf32, #tpu.memory_space<vmem>>) target(%dma_start3A_796 : memref<8x1024xf32, #tpu.memory_space<hbm>>) target_semaphore(%arg15 : memref<!tpu.dma_semaphore, #tpu.memory_space<semaphore_mem>>)
      %sub3A_801 = arith.constant 3 : i32
      %sub3A_802 = arith.subi %add3A_773, %sub3A_801 : i32
      %mul3A_803 = arith.constant 8 : i32
      %mul3A_804 = arith.muli %sub3A_802, %mul3A_803 : i32
      %add3A_805 = arith.addi %mul3A_2, %mul3A_804 : i32
      %dma_wait3A_806 = arith.constant 5 : i32
      %dma_wait3A_807 = arith.constant 0 : i32
      %dma_wait3A_808 = arith.constant 0 : i32
      %dma_wait3A_809 = tpu.memref_slice %arg6[%dma_wait3A_806, %dma_wait3A_807, %dma_wait3A_808] : memref<8x8x1024xf32, #tpu.memory_space<vmem>> -> memref<1x8x1024xf32, #tpu.memory_space<vmem>>
      %dma_wait3A_810 = tpu.memref_squeeze %dma_wait3A_809 : memref<1x8x1024xf32, #tpu.memory_space<vmem>> -> memref<8x1024xf32, #tpu.memory_space<vmem>>
      %dma_wait3A_811 = arith.constant 0 : i32
      %dma_wait3A_812 = tpu.memref_slice %arg4[%add3A_805, %dma_wait3A_811] : memref<32768x1024xf32, #tpu.memory_space<hbm>> -> memref<8x1024xf32, #tpu.memory_space<hbm>>
      %dma_wait3A_813 = arith.constant 0 : i32
      %dma_wait3A_814 = tpu.memref_slice %arg4[%add3A_805, %dma_wait3A_813] : memref<32768x1024xf32, #tpu.memory_space<hbm>> -> memref<8x1024xf32, #tpu.memory_space<hbm>>
      %dma_wait3A_815 = arith.constant 0 : i32
      %dma_wait3A_816 = arith.constant 0 : i32
      %dma_wait3A_817 = tpu.memref_slice %arg6[%dma_wait3A_806, %dma_wait3A_815, %dma_wait3A_816] : memref<8x8x1024xf32, #tpu.memory_space<vmem>> -> memref<1x8x1024xf32, #tpu.memory_space<vmem>>
      %dma_wait3A_818 = tpu.memref_squeeze %dma_wait3A_817 : memref<1x8x1024xf32, #tpu.memory_space<vmem>> -> memref<8x1024xf32, #tpu.memory_space<vmem>>
      tpu.wait_dma2 semaphore(%arg20 : memref<!tpu.dma_semaphore, #tpu.memory_space<semaphore_mem>>) src(%dma_wait3A_818 : memref<8x1024xf32, #tpu.memory_space<vmem>>) dst(%dma_wait3A_814 : memref<8x1024xf32, #tpu.memory_space<hbm>>)
      %sub3A_819 = arith.constant 3 : i32
      %sub3A_820 = arith.subi %add3A_773, %sub3A_819 : i32
      %add3A_821 = arith.constant 8 : i32
      %add3A_822 = arith.addi %sub3A_820, %add3A_821 : i32
      %dma_start3A_823 = arith.constant 5 : i32
      %dma_start3A_824 = arith.constant 0 : i32
      %dma_start3A_825 = arith.constant 0 : i32
      %dma_start3A_826 = tpu.memref_slice %arg6[%dma_start3A_823, %dma_start3A_824, %dma_start3A_825] : memref<8x8x1024xf32, #tpu.memory_space<vmem>> -> memref<1x8x1024xf32, #tpu.memory_space<vmem>>
      %dma_start3A_827 = tpu.memref_squeeze %dma_start3A_826 : memref<1x8x1024xf32, #tpu.memory_space<vmem>> -> memref<8x1024xf32, #tpu.memory_space<vmem>>
      %dma_start3A_828 = arith.constant 0 : i32
      %dma_start3A_829 = tpu.memref_slice %arg5[%add3A_822, %dma_start3A_828] : memref<128x8xi32, #tpu.memory_space<vmem>> -> memref<1x8xi32, #tpu.memory_space<vmem>>
      %dma_start3A_830 = tpu.memref_squeeze %dma_start3A_829 : memref<1x8xi32, #tpu.memory_space<vmem>> -> memref<8xi32, #tpu.memory_space<vmem>>
      %dma_start3A_831 = arith.constant 0 : i32
      %dma_start3A_832 = arith.constant 0 : i32
      %dma_start3A_833 = tpu.memref_slice %arg2[%dma_start3A_831, %dma_start3A_832] : memref<8192x1024xf32, #tpu.memory_space<hbm>> -> memref<8192x1024xf32, #tpu.memory_space<hbm>>
      tpu.enqueue_indirect_dma source(%dma_start3A_833 : memref<8192x1024xf32, #tpu.memory_space<hbm>>) target(%dma_start3A_827 : memref<8x1024xf32, #tpu.memory_space<vmem>>) offsets(%dma_start3A_830 : memref<8xi32, #tpu.memory_space<vmem>>) semaphore(%arg12 : memref<!tpu.dma_semaphore, #tpu.memory_space<semaphore_mem>>)
      %mul3A_834 = arith.constant 8 : i32
      %mul3A_835 = arith.muli %scan3A_438, %mul3A_834 : i32
      %add3A_836 = arith.constant 3 : i32
      %add3A_837 = arith.addi %add3A_836, %mul3A_835 : i32
      %add3A_838 = arith.constant 6 : i32
      %add3A_839 = arith.addi %add3A_837, %add3A_838 : i32
      %dma_wait3A_840 = arith.constant 1 : i32
      %dma_wait3A_841 = arith.constant 0 : i32
      %dma_wait3A_842 = arith.constant 0 : i32
      %dma_wait3A_843 = tpu.memref_slice %arg6[%dma_wait3A_840, %dma_wait3A_841, %dma_wait3A_842] : memref<8x8x1024xf32, #tpu.memory_space<vmem>> -> memref<1x8x1024xf32, #tpu.memory_space<vmem>>
      %dma_wait3A_844 = tpu.memref_squeeze %dma_wait3A_843 : memref<1x8x1024xf32, #tpu.memory_space<vmem>> -> memref<8x1024xf32, #tpu.memory_space<vmem>>
      %dma_wait3A_845 = arith.constant 0 : i32
      %dma_wait3A_846 = tpu.memref_slice %arg5[%add3A_839, %dma_wait3A_845] : memref<128x8xi32, #tpu.memory_space<vmem>> -> memref<1x8xi32, #tpu.memory_space<vmem>>
      %dma_wait3A_847 = tpu.memref_squeeze %dma_wait3A_846 : memref<1x8xi32, #tpu.memory_space<vmem>> -> memref<8xi32, #tpu.memory_space<vmem>>
      %dma_wait3A_848 = arith.constant 0 : i32
      %dma_wait3A_849 = arith.constant 0 : i32
      %dma_wait3A_850 = tpu.memref_slice %arg2[%dma_wait3A_848, %dma_wait3A_849] : memref<8192x1024xf32, #tpu.memory_space<hbm>> -> memref<8192x1024xf32, #tpu.memory_space<hbm>>
      tpu.wait_indirect_dma semaphore(%arg8 : memref<!tpu.dma_semaphore, #tpu.memory_space<semaphore_mem>>) src(%dma_wait3A_850 : memref<8192x1024xf32, #tpu.memory_space<hbm>>) dst(%dma_wait3A_844 : memref<8x1024xf32, #tpu.memory_space<vmem>>)
      %mul3A_851 = arith.constant 8 : i32
      %mul3A_852 = arith.muli %add3A_839, %mul3A_851 : i32
      %add3A_853 = arith.addi %mul3A_2, %mul3A_852 : i32
      %dma_start3A_854 = arith.constant 1 : i32
      %dma_start3A_855 = arith.constant 0 : i32
      %dma_start3A_856 = arith.constant 0 : i32
      %dma_start3A_857 = tpu.memref_slice %arg6[%dma_start3A_854, %dma_start3A_855, %dma_start3A_856] : memref<8x8x1024xf32, #tpu.memory_space<vmem>> -> memref<1x8x1024xf32, #tpu.memory_space<vmem>>
      %dma_start3A_858 = tpu.memref_squeeze %dma_start3A_857 : memref<1x8x1024xf32, #tpu.memory_space<vmem>> -> memref<8x1024xf32, #tpu.memory_space<vmem>>
      %dma_start3A_859 = arith.constant 0 : i32
      %dma_start3A_860 = tpu.memref_slice %arg4[%add3A_853, %dma_start3A_859] : memref<32768x1024xf32, #tpu.memory_space<hbm>> -> memref<8x1024xf32, #tpu.memory_space<hbm>>
      %dma_start3A_861 = arith.constant 0 : i32
      %dma_start3A_862 = tpu.memref_slice %arg4[%add3A_853, %dma_start3A_861] : memref<32768x1024xf32, #tpu.memory_space<hbm>> -> memref<8x1024xf32, #tpu.memory_space<hbm>>
      %dma_start3A_863 = arith.constant 0 : i32
      %dma_start3A_864 = arith.constant 0 : i32
      %dma_start3A_865 = tpu.memref_slice %arg6[%dma_start3A_854, %dma_start3A_863, %dma_start3A_864] : memref<8x8x1024xf32, #tpu.memory_space<vmem>> -> memref<1x8x1024xf32, #tpu.memory_space<vmem>>
      %dma_start3A_866 = tpu.memref_squeeze %dma_start3A_865 : memref<1x8x1024xf32, #tpu.memory_space<vmem>> -> memref<8x1024xf32, #tpu.memory_space<vmem>>
      tpu.enqueue_dma source(%dma_start3A_866 : memref<8x1024xf32, #tpu.memory_space<vmem>>) target(%dma_start3A_862 : memref<8x1024xf32, #tpu.memory_space<hbm>>) target_semaphore(%arg16 : memref<!tpu.dma_semaphore, #tpu.memory_space<semaphore_mem>>)
      %sub3A_867 = arith.constant 3 : i32
      %sub3A_868 = arith.subi %add3A_839, %sub3A_867 : i32
      %mul3A_869 = arith.constant 8 : i32
      %mul3A_870 = arith.muli %sub3A_868, %mul3A_869 : i32
      %add3A_871 = arith.addi %mul3A_2, %mul3A_870 : i32
      %dma_wait3A_872 = arith.constant 6 : i32
      %dma_wait3A_873 = arith.constant 0 : i32
      %dma_wait3A_874 = arith.constant 0 : i32
      %dma_wait3A_875 = tpu.memref_slice %arg6[%dma_wait3A_872, %dma_wait3A_873, %dma_wait3A_874] : memref<8x8x1024xf32, #tpu.memory_space<vmem>> -> memref<1x8x1024xf32, #tpu.memory_space<vmem>>
      %dma_wait3A_876 = tpu.memref_squeeze %dma_wait3A_875 : memref<1x8x1024xf32, #tpu.memory_space<vmem>> -> memref<8x1024xf32, #tpu.memory_space<vmem>>
      %dma_wait3A_877 = arith.constant 0 : i32
      %dma_wait3A_878 = tpu.memref_slice %arg4[%add3A_871, %dma_wait3A_877] : memref<32768x1024xf32, #tpu.memory_space<hbm>> -> memref<8x1024xf32, #tpu.memory_space<hbm>>
      %dma_wait3A_879 = arith.constant 0 : i32
      %dma_wait3A_880 = tpu.memref_slice %arg4[%add3A_871, %dma_wait3A_879] : memref<32768x1024xf32, #tpu.memory_space<hbm>> -> memref<8x1024xf32, #tpu.memory_space<hbm>>
      %dma_wait3A_881 = arith.constant 0 : i32
      %dma_wait3A_882 = arith.constant 0 : i32
      %dma_wait3A_883 = tpu.memref_slice %arg6[%dma_wait3A_872, %dma_wait3A_881, %dma_wait3A_882] : memref<8x8x1024xf32, #tpu.memory_space<vmem>> -> memref<1x8x1024xf32, #tpu.memory_space<vmem>>
      %dma_wait3A_884 = tpu.memref_squeeze %dma_wait3A_883 : memref<1x8x1024xf32, #tpu.memory_space<vmem>> -> memref<8x1024xf32, #tpu.memory_space<vmem>>
      tpu.wait_dma2 semaphore(%arg21 : memref<!tpu.dma_semaphore, #tpu.memory_space<semaphore_mem>>) src(%dma_wait3A_884 : memref<8x1024xf32, #tpu.memory_space<vmem>>) dst(%dma_wait3A_880 : memref<8x1024xf32, #tpu.memory_space<hbm>>)
      %sub3A_885 = arith.constant 3 : i32
      %sub3A_886 = arith.subi %add3A_839, %sub3A_885 : i32
      %add3A_887 = arith.constant 8 : i32
      %add3A_888 = arith.addi %sub3A_886, %add3A_887 : i32
      %dma_start3A_889 = arith.constant 6 : i32
      %dma_start3A_890 = arith.constant 0 : i32
      %dma_start3A_891 = arith.constant 0 : i32
      %dma_start3A_892 = tpu.memref_slice %arg6[%dma_start3A_889, %dma_start3A_890, %dma_start3A_891] : memref<8x8x1024xf32, #tpu.memory_space<vmem>> -> memref<1x8x1024xf32, #tpu.memory_space<vmem>>
      %dma_start3A_893 = tpu.memref_squeeze %dma_start3A_892 : memref<1x8x1024xf32, #tpu.memory_space<vmem>> -> memref<8x1024xf32, #tpu.memory_space<vmem>>
      %dma_start3A_894 = arith.constant 0 : i32
      %dma_start3A_895 = tpu.memref_slice %arg5[%add3A_888, %dma_start3A_894] : memref<128x8xi32, #tpu.memory_space<vmem>> -> memref<1x8xi32, #tpu.memory_space<vmem>>
      %dma_start3A_896 = tpu.memref_squeeze %dma_start3A_895 : memref<1x8xi32, #tpu.memory_space<vmem>> -> memref<8xi32, #tpu.memory_space<vmem>>
      %dma_start3A_897 = arith.constant 0 : i32
      %dma_start3A_898 = arith.constant 0 : i32
      %dma_start3A_899 = tpu.memref_slice %arg2[%dma_start3A_897, %dma_start3A_898] : memref<8192x1024xf32, #tpu.memory_space<hbm>> -> memref<8192x1024xf32, #tpu.memory_space<hbm>>
      tpu.enqueue_indirect_dma source(%dma_start3A_899 : memref<8192x1024xf32, #tpu.memory_space<hbm>>) target(%dma_start3A_893 : memref<8x1024xf32, #tpu.memory_space<vmem>>) offsets(%dma_start3A_896 : memref<8xi32, #tpu.memory_space<vmem>>) semaphore(%arg13 : memref<!tpu.dma_semaphore, #tpu.memory_space<semaphore_mem>>)
      %mul3A_900 = arith.constant 8 : i32
      %mul3A_901 = arith.muli %scan3A_438, %mul3A_900 : i32
      %add3A_902 = arith.constant 3 : i32
      %add3A_903 = arith.addi %add3A_902, %mul3A_901 : i32
      %add3A_904 = arith.constant 7 : i32
      %add3A_905 = arith.addi %add3A_903, %add3A_904 : i32
      %dma_wait3A_906 = arith.constant 2 : i32
      %dma_wait3A_907 = arith.constant 0 : i32
      %dma_wait3A_908 = arith.constant 0 : i32
      %dma_wait3A_909 = tpu.memref_slice %arg6[%dma_wait3A_906, %dma_wait3A_907, %dma_wait3A_908] : memref<8x8x1024xf32, #tpu.memory_space<vmem>> -> memref<1x8x1024xf32, #tpu.memory_space<vmem>>
      %dma_wait3A_910 = tpu.memref_squeeze %dma_wait3A_909 : memref<1x8x1024xf32, #tpu.memory_space<vmem>> -> memref<8x1024xf32, #tpu.memory_space<vmem>>
      %dma_wait3A_911 = arith.constant 0 : i32
      %dma_wait3A_912 = tpu.memref_slice %arg5[%add3A_905, %dma_wait3A_911] : memref<128x8xi32, #tpu.memory_space<vmem>> -> memref<1x8xi32, #tpu.memory_space<vmem>>
      %dma_wait3A_913 = tpu.memref_squeeze %dma_wait3A_912 : memref<1x8xi32, #tpu.memory_space<vmem>> -> memref<8xi32, #tpu.memory_space<vmem>>
      %dma_wait3A_914 = arith.constant 0 : i32
      %dma_wait3A_915 = arith.constant 0 : i32
      %dma_wait3A_916 = tpu.memref_slice %arg2[%dma_wait3A_914, %dma_wait3A_915] : memref<8192x1024xf32, #tpu.memory_space<hbm>> -> memref<8192x1024xf32, #tpu.memory_space<hbm>>
      tpu.wait_indirect_dma semaphore(%arg9 : memref<!tpu.dma_semaphore, #tpu.memory_space<semaphore_mem>>) src(%dma_wait3A_916 : memref<8192x1024xf32, #tpu.memory_space<hbm>>) dst(%dma_wait3A_910 : memref<8x1024xf32, #tpu.memory_space<vmem>>)
      %mul3A_917 = arith.constant 8 : i32
      %mul3A_918 = arith.muli %add3A_905, %mul3A_917 : i32
      %add3A_919 = arith.addi %mul3A_2, %mul3A_918 : i32
      %dma_start3A_920 = arith.constant 2 : i32
      %dma_start3A_921 = arith.constant 0 : i32
      %dma_start3A_922 = arith.constant 0 : i32
      %dma_start3A_923 = tpu.memref_slice %arg6[%dma_start3A_920, %dma_start3A_921, %dma_start3A_922] : memref<8x8x1024xf32, #tpu.memory_space<vmem>> -> memref<1x8x1024xf32, #tpu.memory_space<vmem>>
      %dma_start3A_924 = tpu.memref_squeeze %dma_start3A_923 : memref<1x8x1024xf32, #tpu.memory_space<vmem>> -> memref<8x1024xf32, #tpu.memory_space<vmem>>
      %dma_start3A_925 = arith.constant 0 : i32
      %dma_start3A_926 = tpu.memref_slice %arg4[%add3A_919, %dma_start3A_925] : memref<32768x1024xf32, #tpu.memory_space<hbm>> -> memref<8x1024xf32, #tpu.memory_space<hbm>>
      %dma_start3A_927 = arith.constant 0 : i32
      %dma_start3A_928 = tpu.memref_slice %arg4[%add3A_919, %dma_start3A_927] : memref<32768x1024xf32, #tpu.memory_space<hbm>> -> memref<8x1024xf32, #tpu.memory_space<hbm>>
      %dma_start3A_929 = arith.constant 0 : i32
      %dma_start3A_930 = arith.constant 0 : i32
      %dma_start3A_931 = tpu.memref_slice %arg6[%dma_start3A_920, %dma_start3A_929, %dma_start3A_930] : memref<8x8x1024xf32, #tpu.memory_space<vmem>> -> memref<1x8x1024xf32, #tpu.memory_space<vmem>>
      %dma_start3A_932 = tpu.memref_squeeze %dma_start3A_931 : memref<1x8x1024xf32, #tpu.memory_space<vmem>> -> memref<8x1024xf32, #tpu.memory_space<vmem>>
      tpu.enqueue_dma source(%dma_start3A_932 : memref<8x1024xf32, #tpu.memory_space<vmem>>) target(%dma_start3A_928 : memref<8x1024xf32, #tpu.memory_space<hbm>>) target_semaphore(%arg17 : memref<!tpu.dma_semaphore, #tpu.memory_space<semaphore_mem>>)
      %sub3A_933 = arith.constant 3 : i32
      %sub3A_934 = arith.subi %add3A_905, %sub3A_933 : i32
      %mul3A_935 = arith.constant 8 : i32
      %mul3A_936 = arith.muli %sub3A_934, %mul3A_935 : i32
      %add3A_937 = arith.addi %mul3A_2, %mul3A_936 : i32
      %dma_wait3A_938 = arith.constant 7 : i32
      %dma_wait3A_939 = arith.constant 0 : i32
      %dma_wait3A_940 = arith.constant 0 : i32
      %dma_wait3A_941 = tpu.memref_slice %arg6[%dma_wait3A_938, %dma_wait3A_939, %dma_wait3A_940] : memref<8x8x1024xf32, #tpu.memory_space<vmem>> -> memref<1x8x1024xf32, #tpu.memory_space<vmem>>
      %dma_wait3A_942 = tpu.memref_squeeze %dma_wait3A_941 : memref<1x8x1024xf32, #tpu.memory_space<vmem>> -> memref<8x1024xf32, #tpu.memory_space<vmem>>
      %dma_wait3A_943 = arith.constant 0 : i32
      %dma_wait3A_944 = tpu.memref_slice %arg4[%add3A_937, %dma_wait3A_943] : memref<32768x1024xf32, #tpu.memory_space<hbm>> -> memref<8x1024xf32, #tpu.memory_space<hbm>>
      %dma_wait3A_945 = arith.constant 0 : i32
      %dma_wait3A_946 = tpu.memref_slice %arg4[%add3A_937, %dma_wait3A_945] : memref<32768x1024xf32, #tpu.memory_space<hbm>> -> memref<8x1024xf32, #tpu.memory_space<hbm>>
      %dma_wait3A_947 = arith.constant 0 : i32
      %dma_wait3A_948 = arith.constant 0 : i32
      %dma_wait3A_949 = tpu.memref_slice %arg6[%dma_wait3A_938, %dma_wait3A_947, %dma_wait3A_948] : memref<8x8x1024xf32, #tpu.memory_space<vmem>> -> memref<1x8x1024xf32, #tpu.memory_space<vmem>>
      %dma_wait3A_950 = tpu.memref_squeeze %dma_wait3A_949 : memref<1x8x1024xf32, #tpu.memory_space<vmem>> -> memref<8x1024xf32, #tpu.memory_space<vmem>>
      tpu.wait_dma2 semaphore(%arg22 : memref<!tpu.dma_semaphore, #tpu.memory_space<semaphore_mem>>) src(%dma_wait3A_950 : memref<8x1024xf32, #tpu.memory_space<vmem>>) dst(%dma_wait3A_946 : memref<8x1024xf32, #tpu.memory_space<hbm>>)
      %sub3A_951 = arith.constant 3 : i32
      %sub3A_952 = arith.subi %add3A_905, %sub3A_951 : i32
      %add3A_953 = arith.constant 8 : i32
      %add3A_954 = arith.addi %sub3A_952, %add3A_953 : i32
      %dma_start3A_955 = arith.constant 7 : i32
      %dma_start3A_956 = arith.constant 0 : i32
      %dma_start3A_957 = arith.constant 0 : i32
      %dma_start3A_958 = tpu.memref_slice %arg6[%dma_start3A_955, %dma_start3A_956, %dma_start3A_957] : memref<8x8x1024xf32, #tpu.memory_space<vmem>> -> memref<1x8x1024xf32, #tpu.memory_space<vmem>>
      %dma_start3A_959 = tpu.memref_squeeze %dma_start3A_958 : memref<1x8x1024xf32, #tpu.memory_space<vmem>> -> memref<8x1024xf32, #tpu.memory_space<vmem>>
      %dma_start3A_960 = arith.constant 0 : i32
      %dma_start3A_961 = tpu.memref_slice %arg5[%add3A_954, %dma_start3A_960] : memref<128x8xi32, #tpu.memory_space<vmem>> -> memref<1x8xi32, #tpu.memory_space<vmem>>
      %dma_start3A_962 = tpu.memref_squeeze %dma_start3A_961 : memref<1x8xi32, #tpu.memory_space<vmem>> -> memref<8xi32, #tpu.memory_space<vmem>>
      %dma_start3A_963 = arith.constant 0 : i32
      %dma_start3A_964 = arith.constant 0 : i32
      %dma_start3A_965 = tpu.memref_slice %arg2[%dma_start3A_963, %dma_start3A_964] : memref<8192x1024xf32, #tpu.memory_space<hbm>> -> memref<8192x1024xf32, #tpu.memory_space<hbm>>
      tpu.enqueue_indirect_dma source(%dma_start3A_965 : memref<8192x1024xf32, #tpu.memory_space<hbm>>) target(%dma_start3A_959 : memref<8x1024xf32, #tpu.memory_space<vmem>>) offsets(%dma_start3A_962 : memref<8xi32, #tpu.memory_space<vmem>>) semaphore(%arg14 : memref<!tpu.dma_semaphore, #tpu.memory_space<semaphore_mem>>)
    }
    %scan3A_182 = arith.constant 15 : i32
    %dma_wait3A_183 = arith.constant 123 : i32
    %dma_wait3A_184 = arith.constant 3 : i32
    %dma_wait3A_185 = arith.constant 0 : i32
    %dma_wait3A_186 = arith.constant 0 : i32
    %dma_wait3A_187 = tpu.memref_slice %arg6[%dma_wait3A_184, %dma_wait3A_185, %dma_wait3A_186] : memref<8x8x1024xf32, #tpu.memory_space<vmem>> -> memref<1x8x1024xf32, #tpu.memory_space<vmem>>
    %dma_wait3A_188 = tpu.memref_squeeze %dma_wait3A_187 : memref<1x8x1024xf32, #tpu.memory_space<vmem>> -> memref<8x1024xf32, #tpu.memory_space<vmem>>
    %dma_wait3A_189 = arith.constant 0 : i32
    %dma_wait3A_190 = tpu.memref_slice %arg5[%dma_wait3A_183, %dma_wait3A_189] : memref<128x8xi32, #tpu.memory_space<vmem>> -> memref<1x8xi32, #tpu.memory_space<vmem>>
    %dma_wait3A_191 = tpu.memref_squeeze %dma_wait3A_190 : memref<1x8xi32, #tpu.memory_space<vmem>> -> memref<8xi32, #tpu.memory_space<vmem>>
    %dma_wait3A_192 = arith.constant 0 : i32
    %dma_wait3A_193 = arith.constant 0 : i32
    %dma_wait3A_194 = tpu.memref_slice %arg2[%dma_wait3A_192, %dma_wait3A_193] : memref<8192x1024xf32, #tpu.memory_space<hbm>> -> memref<8192x1024xf32, #tpu.memory_space<hbm>>
    tpu.wait_indirect_dma semaphore(%arg10 : memref<!tpu.dma_semaphore, #tpu.memory_space<semaphore_mem>>) src(%dma_wait3A_194 : memref<8192x1024xf32, #tpu.memory_space<hbm>>) dst(%dma_wait3A_188 : memref<8x1024xf32, #tpu.memory_space<vmem>>)
    %add3A_195 = arith.constant 984 : i32
    %add3A_196 = arith.addi %mul3A_2, %add3A_195 : i32
    %dma_start3A_197 = arith.constant 3 : i32
    %dma_start3A_198 = arith.constant 0 : i32
    %dma_start3A_199 = arith.constant 0 : i32
    %dma_start3A_200 = tpu.memref_slice %arg6[%dma_start3A_197, %dma_start3A_198, %dma_start3A_199] : memref<8x8x1024xf32, #tpu.memory_space<vmem>> -> memref<1x8x1024xf32, #tpu.memory_space<vmem>>
    %dma_start3A_201 = tpu.memref_squeeze %dma_start3A_200 : memref<1x8x1024xf32, #tpu.memory_space<vmem>> -> memref<8x1024xf32, #tpu.memory_space<vmem>>
    %dma_start3A_202 = arith.constant 0 : i32
    %dma_start3A_203 = tpu.memref_slice %arg4[%add3A_196, %dma_start3A_202] : memref<32768x1024xf32, #tpu.memory_space<hbm>> -> memref<8x1024xf32, #tpu.memory_space<hbm>>
    %dma_start3A_204 = arith.constant 0 : i32
    %dma_start3A_205 = tpu.memref_slice %arg4[%add3A_196, %dma_start3A_204] : memref<32768x1024xf32, #tpu.memory_space<hbm>> -> memref<8x1024xf32, #tpu.memory_space<hbm>>
    %dma_start3A_206 = arith.constant 0 : i32
    %dma_start3A_207 = arith.constant 0 : i32
    %dma_start3A_208 = tpu.memref_slice %arg6[%dma_start3A_197, %dma_start3A_206, %dma_start3A_207] : memref<8x8x1024xf32, #tpu.memory_space<vmem>> -> memref<1x8x1024xf32, #tpu.memory_space<vmem>>
    %dma_start3A_209 = tpu.memref_squeeze %dma_start3A_208 : memref<1x8x1024xf32, #tpu.memory_space<vmem>> -> memref<8x1024xf32, #tpu.memory_space<vmem>>
    tpu.enqueue_dma source(%dma_start3A_209 : memref<8x1024xf32, #tpu.memory_space<vmem>>) target(%dma_start3A_205 : memref<8x1024xf32, #tpu.memory_space<hbm>>) target_semaphore(%arg18 : memref<!tpu.dma_semaphore, #tpu.memory_space<semaphore_mem>>)
    %dma_wait3A_210 = arith.constant 124 : i32
    %dma_wait3A_211 = arith.constant 4 : i32
    %dma_wait3A_212 = arith.constant 0 : i32
    %dma_wait3A_213 = arith.constant 0 : i32
    %dma_wait3A_214 = tpu.memref_slice %arg6[%dma_wait3A_211, %dma_wait3A_212, %dma_wait3A_213] : memref<8x8x1024xf32, #tpu.memory_space<vmem>> -> memref<1x8x1024xf32, #tpu.memory_space<vmem>>
    %dma_wait3A_215 = tpu.memref_squeeze %dma_wait3A_214 : memref<1x8x1024xf32, #tpu.memory_space<vmem>> -> memref<8x1024xf32, #tpu.memory_space<vmem>>
    %dma_wait3A_216 = arith.constant 0 : i32
    %dma_wait3A_217 = tpu.memref_slice %arg5[%dma_wait3A_210, %dma_wait3A_216] : memref<128x8xi32, #tpu.memory_space<vmem>> -> memref<1x8xi32, #tpu.memory_space<vmem>>
    %dma_wait3A_218 = tpu.memref_squeeze %dma_wait3A_217 : memref<1x8xi32, #tpu.memory_space<vmem>> -> memref<8xi32, #tpu.memory_space<vmem>>
    %dma_wait3A_219 = arith.constant 0 : i32
    %dma_wait3A_220 = arith.constant 0 : i32
    %dma_wait3A_221 = tpu.memref_slice %arg2[%dma_wait3A_219, %dma_wait3A_220] : memref<8192x1024xf32, #tpu.memory_space<hbm>> -> memref<8192x1024xf32, #tpu.memory_space<hbm>>
    tpu.wait_indirect_dma semaphore(%arg11 : memref<!tpu.dma_semaphore, #tpu.memory_space<semaphore_mem>>) src(%dma_wait3A_221 : memref<8192x1024xf32, #tpu.memory_space<hbm>>) dst(%dma_wait3A_215 : memref<8x1024xf32, #tpu.memory_space<vmem>>)
    %add3A_222 = arith.constant 992 : i32
    %add3A_223 = arith.addi %mul3A_2, %add3A_222 : i32
    %dma_start3A_224 = arith.constant 4 : i32
    %dma_start3A_225 = arith.constant 0 : i32
    %dma_start3A_226 = arith.constant 0 : i32
    %dma_start3A_227 = tpu.memref_slice %arg6[%dma_start3A_224, %dma_start3A_225, %dma_start3A_226] : memref<8x8x1024xf32, #tpu.memory_space<vmem>> -> memref<1x8x1024xf32, #tpu.memory_space<vmem>>
    %dma_start3A_228 = tpu.memref_squeeze %dma_start3A_227 : memref<1x8x1024xf32, #tpu.memory_space<vmem>> -> memref<8x1024xf32, #tpu.memory_space<vmem>>
    %dma_start3A_229 = arith.constant 0 : i32
    %dma_start3A_230 = tpu.memref_slice %arg4[%add3A_223, %dma_start3A_229] : memref<32768x1024xf32, #tpu.memory_space<hbm>> -> memref<8x1024xf32, #tpu.memory_space<hbm>>
    %dma_start3A_231 = arith.constant 0 : i32
    %dma_start3A_232 = tpu.memref_slice %arg4[%add3A_223, %dma_start3A_231] : memref<32768x1024xf32, #tpu.memory_space<hbm>> -> memref<8x1024xf32, #tpu.memory_space<hbm>>
    %dma_start3A_233 = arith.constant 0 : i32
    %dma_start3A_234 = arith.constant 0 : i32
    %dma_start3A_235 = tpu.memref_slice %arg6[%dma_start3A_224, %dma_start3A_233, %dma_start3A_234] : memref<8x8x1024xf32, #tpu.memory_space<vmem>> -> memref<1x8x1024xf32, #tpu.memory_space<vmem>>
    %dma_start3A_236 = tpu.memref_squeeze %dma_start3A_235 : memref<1x8x1024xf32, #tpu.memory_space<vmem>> -> memref<8x1024xf32, #tpu.memory_space<vmem>>
    tpu.enqueue_dma source(%dma_start3A_236 : memref<8x1024xf32, #tpu.memory_space<vmem>>) target(%dma_start3A_232 : memref<8x1024xf32, #tpu.memory_space<hbm>>) target_semaphore(%arg19 : memref<!tpu.dma_semaphore, #tpu.memory_space<semaphore_mem>>)
    %dma_wait3A_237 = arith.constant 125 : i32
    %dma_wait3A_238 = arith.constant 5 : i32
    %dma_wait3A_239 = arith.constant 0 : i32
    %dma_wait3A_240 = arith.constant 0 : i32
    %dma_wait3A_241 = tpu.memref_slice %arg6[%dma_wait3A_238, %dma_wait3A_239, %dma_wait3A_240] : memref<8x8x1024xf32, #tpu.memory_space<vmem>> -> memref<1x8x1024xf32, #tpu.memory_space<vmem>>
    %dma_wait3A_242 = tpu.memref_squeeze %dma_wait3A_241 : memref<1x8x1024xf32, #tpu.memory_space<vmem>> -> memref<8x1024xf32, #tpu.memory_space<vmem>>
    %dma_wait3A_243 = arith.constant 0 : i32
    %dma_wait3A_244 = tpu.memref_slice %arg5[%dma_wait3A_237, %dma_wait3A_243] : memref<128x8xi32, #tpu.memory_space<vmem>> -> memref<1x8xi32, #tpu.memory_space<vmem>>
    %dma_wait3A_245 = tpu.memref_squeeze %dma_wait3A_244 : memref<1x8xi32, #tpu.memory_space<vmem>> -> memref<8xi32, #tpu.memory_space<vmem>>
    %dma_wait3A_246 = arith.constant 0 : i32
    %dma_wait3A_247 = arith.constant 0 : i32
    %dma_wait3A_248 = tpu.memref_slice %arg2[%dma_wait3A_246, %dma_wait3A_247] : memref<8192x1024xf32, #tpu.memory_space<hbm>> -> memref<8192x1024xf32, #tpu.memory_space<hbm>>
    tpu.wait_indirect_dma semaphore(%arg12 : memref<!tpu.dma_semaphore, #tpu.memory_space<semaphore_mem>>) src(%dma_wait3A_248 : memref<8192x1024xf32, #tpu.memory_space<hbm>>) dst(%dma_wait3A_242 : memref<8x1024xf32, #tpu.memory_space<vmem>>)
    %add3A_249 = arith.constant 1000 : i32
    %add3A_250 = arith.addi %mul3A_2, %add3A_249 : i32
    %dma_start3A_251 = arith.constant 5 : i32
    %dma_start3A_252 = arith.constant 0 : i32
    %dma_start3A_253 = arith.constant 0 : i32
    %dma_start3A_254 = tpu.memref_slice %arg6[%dma_start3A_251, %dma_start3A_252, %dma_start3A_253] : memref<8x8x1024xf32, #tpu.memory_space<vmem>> -> memref<1x8x1024xf32, #tpu.memory_space<vmem>>
    %dma_start3A_255 = tpu.memref_squeeze %dma_start3A_254 : memref<1x8x1024xf32, #tpu.memory_space<vmem>> -> memref<8x1024xf32, #tpu.memory_space<vmem>>
    %dma_start3A_256 = arith.constant 0 : i32
    %dma_start3A_257 = tpu.memref_slice %arg4[%add3A_250, %dma_start3A_256] : memref<32768x1024xf32, #tpu.memory_space<hbm>> -> memref<8x1024xf32, #tpu.memory_space<hbm>>
    %dma_start3A_258 = arith.constant 0 : i32
    %dma_start3A_259 = tpu.memref_slice %arg4[%add3A_250, %dma_start3A_258] : memref<32768x1024xf32, #tpu.memory_space<hbm>> -> memref<8x1024xf32, #tpu.memory_space<hbm>>
    %dma_start3A_260 = arith.constant 0 : i32
    %dma_start3A_261 = arith.constant 0 : i32
    %dma_start3A_262 = tpu.memref_slice %arg6[%dma_start3A_251, %dma_start3A_260, %dma_start3A_261] : memref<8x8x1024xf32, #tpu.memory_space<vmem>> -> memref<1x8x1024xf32, #tpu.memory_space<vmem>>
    %dma_start3A_263 = tpu.memref_squeeze %dma_start3A_262 : memref<1x8x1024xf32, #tpu.memory_space<vmem>> -> memref<8x1024xf32, #tpu.memory_space<vmem>>
    tpu.enqueue_dma source(%dma_start3A_263 : memref<8x1024xf32, #tpu.memory_space<vmem>>) target(%dma_start3A_259 : memref<8x1024xf32, #tpu.memory_space<hbm>>) target_semaphore(%arg20 : memref<!tpu.dma_semaphore, #tpu.memory_space<semaphore_mem>>)
    %dma_wait3A_264 = arith.constant 126 : i32
    %dma_wait3A_265 = arith.constant 6 : i32
    %dma_wait3A_266 = arith.constant 0 : i32
    %dma_wait3A_267 = arith.constant 0 : i32
    %dma_wait3A_268 = tpu.memref_slice %arg6[%dma_wait3A_265, %dma_wait3A_266, %dma_wait3A_267] : memref<8x8x1024xf32, #tpu.memory_space<vmem>> -> memref<1x8x1024xf32, #tpu.memory_space<vmem>>
    %dma_wait3A_269 = tpu.memref_squeeze %dma_wait3A_268 : memref<1x8x1024xf32, #tpu.memory_space<vmem>> -> memref<8x1024xf32, #tpu.memory_space<vmem>>
    %dma_wait3A_270 = arith.constant 0 : i32
    %dma_wait3A_271 = tpu.memref_slice %arg5[%dma_wait3A_264, %dma_wait3A_270] : memref<128x8xi32, #tpu.memory_space<vmem>> -> memref<1x8xi32, #tpu.memory_space<vmem>>
    %dma_wait3A_272 = tpu.memref_squeeze %dma_wait3A_271 : memref<1x8xi32, #tpu.memory_space<vmem>> -> memref<8xi32, #tpu.memory_space<vmem>>
    %dma_wait3A_273 = arith.constant 0 : i32
    %dma_wait3A_274 = arith.constant 0 : i32
    %dma_wait3A_275 = tpu.memref_slice %arg2[%dma_wait3A_273, %dma_wait3A_274] : memref<8192x1024xf32, #tpu.memory_space<hbm>> -> memref<8192x1024xf32, #tpu.memory_space<hbm>>
    tpu.wait_indirect_dma semaphore(%arg13 : memref<!tpu.dma_semaphore, #tpu.memory_space<semaphore_mem>>) src(%dma_wait3A_275 : memref<8192x1024xf32, #tpu.memory_space<hbm>>) dst(%dma_wait3A_269 : memref<8x1024xf32, #tpu.memory_space<vmem>>)
    %add3A_276 = arith.constant 1008 : i32
    %add3A_277 = arith.addi %mul3A_2, %add3A_276 : i32
    %dma_start3A_278 = arith.constant 6 : i32
    %dma_start3A_279 = arith.constant 0 : i32
    %dma_start3A_280 = arith.constant 0 : i32
    %dma_start3A_281 = tpu.memref_slice %arg6[%dma_start3A_278, %dma_start3A_279, %dma_start3A_280] : memref<8x8x1024xf32, #tpu.memory_space<vmem>> -> memref<1x8x1024xf32, #tpu.memory_space<vmem>>
    %dma_start3A_282 = tpu.memref_squeeze %dma_start3A_281 : memref<1x8x1024xf32, #tpu.memory_space<vmem>> -> memref<8x1024xf32, #tpu.memory_space<vmem>>
    %dma_start3A_283 = arith.constant 0 : i32
    %dma_start3A_284 = tpu.memref_slice %arg4[%add3A_277, %dma_start3A_283] : memref<32768x1024xf32, #tpu.memory_space<hbm>> -> memref<8x1024xf32, #tpu.memory_space<hbm>>
    %dma_start3A_285 = arith.constant 0 : i32
    %dma_start3A_286 = tpu.memref_slice %arg4[%add3A_277, %dma_start3A_285] : memref<32768x1024xf32, #tpu.memory_space<hbm>> -> memref<8x1024xf32, #tpu.memory_space<hbm>>
    %dma_start3A_287 = arith.constant 0 : i32
    %dma_start3A_288 = arith.constant 0 : i32
    %dma_start3A_289 = tpu.memref_slice %arg6[%dma_start3A_278, %dma_start3A_287, %dma_start3A_288] : memref<8x8x1024xf32, #tpu.memory_space<vmem>> -> memref<1x8x1024xf32, #tpu.memory_space<vmem>>
    %dma_start3A_290 = tpu.memref_squeeze %dma_start3A_289 : memref<1x8x1024xf32, #tpu.memory_space<vmem>> -> memref<8x1024xf32, #tpu.memory_space<vmem>>
    tpu.enqueue_dma source(%dma_start3A_290 : memref<8x1024xf32, #tpu.memory_space<vmem>>) target(%dma_start3A_286 : memref<8x1024xf32, #tpu.memory_space<hbm>>) target_semaphore(%arg21 : memref<!tpu.dma_semaphore, #tpu.memory_space<semaphore_mem>>)
    %dma_wait3A_291 = arith.constant 127 : i32
    %dma_wait3A_292 = arith.constant 7 : i32
    %dma_wait3A_293 = arith.constant 0 : i32
    %dma_wait3A_294 = arith.constant 0 : i32
    %dma_wait3A_295 = tpu.memref_slice %arg6[%dma_wait3A_292, %dma_wait3A_293, %dma_wait3A_294] : memref<8x8x1024xf32, #tpu.memory_space<vmem>> -> memref<1x8x1024xf32, #tpu.memory_space<vmem>>
    %dma_wait3A_296 = tpu.memref_squeeze %dma_wait3A_295 : memref<1x8x1024xf32, #tpu.memory_space<vmem>> -> memref<8x1024xf32, #tpu.memory_space<vmem>>
    %dma_wait3A_297 = arith.constant 0 : i32
    %dma_wait3A_298 = tpu.memref_slice %arg5[%dma_wait3A_291, %dma_wait3A_297] : memref<128x8xi32, #tpu.memory_space<vmem>> -> memref<1x8xi32, #tpu.memory_space<vmem>>
    %dma_wait3A_299 = tpu.memref_squeeze %dma_wait3A_298 : memref<1x8xi32, #tpu.memory_space<vmem>> -> memref<8xi32, #tpu.memory_space<vmem>>
    %dma_wait3A_300 = arith.constant 0 : i32
    %dma_wait3A_301 = arith.constant 0 : i32
    %dma_wait3A_302 = tpu.memref_slice %arg2[%dma_wait3A_300, %dma_wait3A_301] : memref<8192x1024xf32, #tpu.memory_space<hbm>> -> memref<8192x1024xf32, #tpu.memory_space<hbm>>
    tpu.wait_indirect_dma semaphore(%arg14 : memref<!tpu.dma_semaphore, #tpu.memory_space<semaphore_mem>>) src(%dma_wait3A_302 : memref<8192x1024xf32, #tpu.memory_space<hbm>>) dst(%dma_wait3A_296 : memref<8x1024xf32, #tpu.memory_space<vmem>>)
    %add3A_303 = arith.constant 1016 : i32
    %add3A_304 = arith.addi %mul3A_2, %add3A_303 : i32
    %dma_start3A_305 = arith.constant 7 : i32
    %dma_start3A_306 = arith.constant 0 : i32
    %dma_start3A_307 = arith.constant 0 : i32
    %dma_start3A_308 = tpu.memref_slice %arg6[%dma_start3A_305, %dma_start3A_306, %dma_start3A_307] : memref<8x8x1024xf32, #tpu.memory_space<vmem>> -> memref<1x8x1024xf32, #tpu.memory_space<vmem>>
    %dma_start3A_309 = tpu.memref_squeeze %dma_start3A_308 : memref<1x8x1024xf32, #tpu.memory_space<vmem>> -> memref<8x1024xf32, #tpu.memory_space<vmem>>
    %dma_start3A_310 = arith.constant 0 : i32
    %dma_start3A_311 = tpu.memref_slice %arg4[%add3A_304, %dma_start3A_310] : memref<32768x1024xf32, #tpu.memory_space<hbm>> -> memref<8x1024xf32, #tpu.memory_space<hbm>>
    %dma_start3A_312 = arith.constant 0 : i32
    %dma_start3A_313 = tpu.memref_slice %arg4[%add3A_304, %dma_start3A_312] : memref<32768x1024xf32, #tpu.memory_space<hbm>> -> memref<8x1024xf32, #tpu.memory_space<hbm>>
    %dma_start3A_314 = arith.constant 0 : i32
    %dma_start3A_315 = arith.constant 0 : i32
    %dma_start3A_316 = tpu.memref_slice %arg6[%dma_start3A_305, %dma_start3A_314, %dma_start3A_315] : memref<8x8x1024xf32, #tpu.memory_space<vmem>> -> memref<1x8x1024xf32, #tpu.memory_space<vmem>>
    %dma_start3A_317 = tpu.memref_squeeze %dma_start3A_316 : memref<1x8x1024xf32, #tpu.memory_space<vmem>> -> memref<8x1024xf32, #tpu.memory_space<vmem>>
    tpu.enqueue_dma source(%dma_start3A_317 : memref<8x1024xf32, #tpu.memory_space<vmem>>) target(%dma_start3A_313 : memref<8x1024xf32, #tpu.memory_space<hbm>>) target_semaphore(%arg22 : memref<!tpu.dma_semaphore, #tpu.memory_space<semaphore_mem>>)
    %add3A_318 = arith.constant 960 : i32
    %add3A_319 = arith.addi %mul3A_2, %add3A_318 : i32
    %dma_wait3A_320 = arith.constant 0 : i32
    %dma_wait3A_321 = arith.constant 0 : i32
    %dma_wait3A_322 = arith.constant 0 : i32
    %dma_wait3A_323 = tpu.memref_slice %arg6[%dma_wait3A_320, %dma_wait3A_321, %dma_wait3A_322] : memref<8x8x1024xf32, #tpu.memory_space<vmem>> -> memref<1x8x1024xf32, #tpu.memory_space<vmem>>
    %dma_wait3A_324 = tpu.memref_squeeze %dma_wait3A_323 : memref<1x8x1024xf32, #tpu.memory_space<vmem>> -> memref<8x1024xf32, #tpu.memory_space<vmem>>
    %dma_wait3A_325 = arith.constant 0 : i32
    %dma_wait3A_326 = tpu.memref_slice %arg4[%add3A_319, %dma_wait3A_325] : memref<32768x1024xf32, #tpu.memory_space<hbm>> -> memref<8x1024xf32, #tpu.memory_space<hbm>>
    %dma_wait3A_327 = arith.constant 0 : i32
    %dma_wait3A_328 = tpu.memref_slice %arg4[%add3A_319, %dma_wait3A_327] : memref<32768x1024xf32, #tpu.memory_space<hbm>> -> memref<8x1024xf32, #tpu.memory_space<hbm>>
    %dma_wait3A_329 = arith.constant 0 : i32
    %dma_wait3A_330 = arith.constant 0 : i32
    %dma_wait3A_331 = tpu.memref_slice %arg6[%dma_wait3A_320, %dma_wait3A_329, %dma_wait3A_330] : memref<8x8x1024xf32, #tpu.memory_space<vmem>> -> memref<1x8x1024xf32, #tpu.memory_space<vmem>>
    %dma_wait3A_332 = tpu.memref_squeeze %dma_wait3A_331 : memref<1x8x1024xf32, #tpu.memory_space<vmem>> -> memref<8x1024xf32, #tpu.memory_space<vmem>>
    tpu.wait_dma2 semaphore(%arg15 : memref<!tpu.dma_semaphore, #tpu.memory_space<semaphore_mem>>) src(%dma_wait3A_332 : memref<8x1024xf32, #tpu.memory_space<vmem>>) dst(%dma_wait3A_328 : memref<8x1024xf32, #tpu.memory_space<hbm>>)
    %add3A_333 = arith.constant 968 : i32
    %add3A_334 = arith.addi %mul3A_2, %add3A_333 : i32
    %dma_wait3A_335 = arith.constant 1 : i32
    %dma_wait3A_336 = arith.constant 0 : i32
    %dma_wait3A_337 = arith.constant 0 : i32
    %dma_wait3A_338 = tpu.memref_slice %arg6[%dma_wait3A_335, %dma_wait3A_336, %dma_wait3A_337] : memref<8x8x1024xf32, #tpu.memory_space<vmem>> -> memref<1x8x1024xf32, #tpu.memory_space<vmem>>
    %dma_wait3A_339 = tpu.memref_squeeze %dma_wait3A_338 : memref<1x8x1024xf32, #tpu.memory_space<vmem>> -> memref<8x1024xf32, #tpu.memory_space<vmem>>
    %dma_wait3A_340 = arith.constant 0 : i32
    %dma_wait3A_341 = tpu.memref_slice %arg4[%add3A_334, %dma_wait3A_340] : memref<32768x1024xf32, #tpu.memory_space<hbm>> -> memref<8x1024xf32, #tpu.memory_space<hbm>>
    %dma_wait3A_342 = arith.constant 0 : i32
    %dma_wait3A_343 = tpu.memref_slice %arg4[%add3A_334, %dma_wait3A_342] : memref<32768x1024xf32, #tpu.memory_space<hbm>> -> memref<8x1024xf32, #tpu.memory_space<hbm>>
    %dma_wait3A_344 = arith.constant 0 : i32
    %dma_wait3A_345 = arith.constant 0 : i32
    %dma_wait3A_346 = tpu.memref_slice %arg6[%dma_wait3A_335, %dma_wait3A_344, %dma_wait3A_345] : memref<8x8x1024xf32, #tpu.memory_space<vmem>> -> memref<1x8x1024xf32, #tpu.memory_space<vmem>>
    %dma_wait3A_347 = tpu.memref_squeeze %dma_wait3A_346 : memref<1x8x1024xf32, #tpu.memory_space<vmem>> -> memref<8x1024xf32, #tpu.memory_space<vmem>>
    tpu.wait_dma2 semaphore(%arg16 : memref<!tpu.dma_semaphore, #tpu.memory_space<semaphore_mem>>) src(%dma_wait3A_347 : memref<8x1024xf32, #tpu.memory_space<vmem>>) dst(%dma_wait3A_343 : memref<8x1024xf32, #tpu.memory_space<hbm>>)
    %add3A_348 = arith.constant 976 : i32
    %add3A_349 = arith.addi %mul3A_2, %add3A_348 : i32
    %dma_wait3A_350 = arith.constant 2 : i32
    %dma_wait3A_351 = arith.constant 0 : i32
    %dma_wait3A_352 = arith.constant 0 : i32
    %dma_wait3A_353 = tpu.memref_slice %arg6[%dma_wait3A_350, %dma_wait3A_351, %dma_wait3A_352] : memref<8x8x1024xf32, #tpu.memory_space<vmem>> -> memref<1x8x1024xf32, #tpu.memory_space<vmem>>
    %dma_wait3A_354 = tpu.memref_squeeze %dma_wait3A_353 : memref<1x8x1024xf32, #tpu.memory_space<vmem>> -> memref<8x1024xf32, #tpu.memory_space<vmem>>
    %dma_wait3A_355 = arith.constant 0 : i32
    %dma_wait3A_356 = tpu.memref_slice %arg4[%add3A_349, %dma_wait3A_355] : memref<32768x1024xf32, #tpu.memory_space<hbm>> -> memref<8x1024xf32, #tpu.memory_space<hbm>>
    %dma_wait3A_357 = arith.constant 0 : i32
    %dma_wait3A_358 = tpu.memref_slice %arg4[%add3A_349, %dma_wait3A_357] : memref<32768x1024xf32, #tpu.memory_space<hbm>> -> memref<8x1024xf32, #tpu.memory_space<hbm>>
    %dma_wait3A_359 = arith.constant 0 : i32
    %dma_wait3A_360 = arith.constant 0 : i32
    %dma_wait3A_361 = tpu.memref_slice %arg6[%dma_wait3A_350, %dma_wait3A_359, %dma_wait3A_360] : memref<8x8x1024xf32, #tpu.memory_space<vmem>> -> memref<1x8x1024xf32, #tpu.memory_space<vmem>>
    %dma_wait3A_362 = tpu.memref_squeeze %dma_wait3A_361 : memref<1x8x1024xf32, #tpu.memory_space<vmem>> -> memref<8x1024xf32, #tpu.memory_space<vmem>>
    tpu.wait_dma2 semaphore(%arg17 : memref<!tpu.dma_semaphore, #tpu.memory_space<semaphore_mem>>) src(%dma_wait3A_362 : memref<8x1024xf32, #tpu.memory_space<vmem>>) dst(%dma_wait3A_358 : memref<8x1024xf32, #tpu.memory_space<hbm>>)
    %add3A_363 = arith.constant 984 : i32
    %add3A_364 = arith.addi %mul3A_2, %add3A_363 : i32
    %dma_wait3A_365 = arith.constant 3 : i32
    %dma_wait3A_366 = arith.constant 0 : i32
    %dma_wait3A_367 = arith.constant 0 : i32
    %dma_wait3A_368 = tpu.memref_slice %arg6[%dma_wait3A_365, %dma_wait3A_366, %dma_wait3A_367] : memref<8x8x1024xf32, #tpu.memory_space<vmem>> -> memref<1x8x1024xf32, #tpu.memory_space<vmem>>
    %dma_wait3A_369 = tpu.memref_squeeze %dma_wait3A_368 : memref<1x8x1024xf32, #tpu.memory_space<vmem>> -> memref<8x1024xf32, #tpu.memory_space<vmem>>
    %dma_wait3A_370 = arith.constant 0 : i32
    %dma_wait3A_371 = tpu.memref_slice %arg4[%add3A_364, %dma_wait3A_370] : memref<32768x1024xf32, #tpu.memory_space<hbm>> -> memref<8x1024xf32, #tpu.memory_space<hbm>>
    %dma_wait3A_372 = arith.constant 0 : i32
    %dma_wait3A_373 = tpu.memref_slice %arg4[%add3A_364, %dma_wait3A_372] : memref<32768x1024xf32, #tpu.memory_space<hbm>> -> memref<8x1024xf32, #tpu.memory_space<hbm>>
    %dma_wait3A_374 = arith.constant 0 : i32
    %dma_wait3A_375 = arith.constant 0 : i32
    %dma_wait3A_376 = tpu.memref_slice %arg6[%dma_wait3A_365, %dma_wait3A_374, %dma_wait3A_375] : memref<8x8x1024xf32, #tpu.memory_space<vmem>> -> memref<1x8x1024xf32, #tpu.memory_space<vmem>>
    %dma_wait3A_377 = tpu.memref_squeeze %dma_wait3A_376 : memref<1x8x1024xf32, #tpu.memory_space<vmem>> -> memref<8x1024xf32, #tpu.memory_space<vmem>>
    tpu.wait_dma2 semaphore(%arg18 : memref<!tpu.dma_semaphore, #tpu.memory_space<semaphore_mem>>) src(%dma_wait3A_377 : memref<8x1024xf32, #tpu.memory_space<vmem>>) dst(%dma_wait3A_373 : memref<8x1024xf32, #tpu.memory_space<hbm>>)
    %add3A_378 = arith.constant 992 : i32
    %add3A_379 = arith.addi %mul3A_2, %add3A_378 : i32
    %dma_wait3A_380 = arith.constant 4 : i32
    %dma_wait3A_381 = arith.constant 0 : i32
    %dma_wait3A_382 = arith.constant 0 : i32
    %dma_wait3A_383 = tpu.memref_slice %arg6[%dma_wait3A_380, %dma_wait3A_381, %dma_wait3A_382] : memref<8x8x1024xf32, #tpu.memory_space<vmem>> -> memref<1x8x1024xf32, #tpu.memory_space<vmem>>
    %dma_wait3A_384 = tpu.memref_squeeze %dma_wait3A_383 : memref<1x8x1024xf32, #tpu.memory_space<vmem>> -> memref<8x1024xf32, #tpu.memory_space<vmem>>
    %dma_wait3A_385 = arith.constant 0 : i32
    %dma_wait3A_386 = tpu.memref_slice %arg4[%add3A_379, %dma_wait3A_385] : memref<32768x1024xf32, #tpu.memory_space<hbm>> -> memref<8x1024xf32, #tpu.memory_space<hbm>>
    %dma_wait3A_387 = arith.constant 0 : i32
    %dma_wait3A_388 = tpu.memref_slice %arg4[%add3A_379, %dma_wait3A_387] : memref<32768x1024xf32, #tpu.memory_space<hbm>> -> memref<8x1024xf32, #tpu.memory_space<hbm>>
    %dma_wait3A_389 = arith.constant 0 : i32
    %dma_wait3A_390 = arith.constant 0 : i32
    %dma_wait3A_391 = tpu.memref_slice %arg6[%dma_wait3A_380, %dma_wait3A_389, %dma_wait3A_390] : memref<8x8x1024xf32, #tpu.memory_space<vmem>> -> memref<1x8x1024xf32, #tpu.memory_space<vmem>>
    %dma_wait3A_392 = tpu.memref_squeeze %dma_wait3A_391 : memref<1x8x1024xf32, #tpu.memory_space<vmem>> -> memref<8x1024xf32, #tpu.memory_space<vmem>>
    tpu.wait_dma2 semaphore(%arg19 : memref<!tpu.dma_semaphore, #tpu.memory_space<semaphore_mem>>) src(%dma_wait3A_392 : memref<8x1024xf32, #tpu.memory_space<vmem>>) dst(%dma_wait3A_388 : memref<8x1024xf32, #tpu.memory_space<hbm>>)
    %add3A_393 = arith.constant 1000 : i32
    %add3A_394 = arith.addi %mul3A_2, %add3A_393 : i32
    %dma_wait3A_395 = arith.constant 5 : i32
    %dma_wait3A_396 = arith.constant 0 : i32
    %dma_wait3A_397 = arith.constant 0 : i32
    %dma_wait3A_398 = tpu.memref_slice %arg6[%dma_wait3A_395, %dma_wait3A_396, %dma_wait3A_397] : memref<8x8x1024xf32, #tpu.memory_space<vmem>> -> memref<1x8x1024xf32, #tpu.memory_space<vmem>>
    %dma_wait3A_399 = tpu.memref_squeeze %dma_wait3A_398 : memref<1x8x1024xf32, #tpu.memory_space<vmem>> -> memref<8x1024xf32, #tpu.memory_space<vmem>>
    %dma_wait3A_400 = arith.constant 0 : i32
    %dma_wait3A_401 = tpu.memref_slice %arg4[%add3A_394, %dma_wait3A_400] : memref<32768x1024xf32, #tpu.memory_space<hbm>> -> memref<8x1024xf32, #tpu.memory_space<hbm>>
    %dma_wait3A_402 = arith.constant 0 : i32
    %dma_wait3A_403 = tpu.memref_slice %arg4[%add3A_394, %dma_wait3A_402] : memref<32768x1024xf32, #tpu.memory_space<hbm>> -> memref<8x1024xf32, #tpu.memory_space<hbm>>
    %dma_wait3A_404 = arith.constant 0 : i32
    %dma_wait3A_405 = arith.constant 0 : i32
    %dma_wait3A_406 = tpu.memref_slice %arg6[%dma_wait3A_395, %dma_wait3A_404, %dma_wait3A_405] : memref<8x8x1024xf32, #tpu.memory_space<vmem>> -> memref<1x8x1024xf32, #tpu.memory_space<vmem>>
    %dma_wait3A_407 = tpu.memref_squeeze %dma_wait3A_406 : memref<1x8x1024xf32, #tpu.memory_space<vmem>> -> memref<8x1024xf32, #tpu.memory_space<vmem>>
    tpu.wait_dma2 semaphore(%arg20 : memref<!tpu.dma_semaphore, #tpu.memory_space<semaphore_mem>>) src(%dma_wait3A_407 : memref<8x1024xf32, #tpu.memory_space<vmem>>) dst(%dma_wait3A_403 : memref<8x1024xf32, #tpu.memory_space<hbm>>)
    %add3A_408 = arith.constant 1008 : i32
    %add3A_409 = arith.addi %mul3A_2, %add3A_408 : i32
    %dma_wait3A_410 = arith.constant 6 : i32
    %dma_wait3A_411 = arith.constant 0 : i32
    %dma_wait3A_412 = arith.constant 0 : i32
    %dma_wait3A_413 = tpu.memref_slice %arg6[%dma_wait3A_410, %dma_wait3A_411, %dma_wait3A_412] : memref<8x8x1024xf32, #tpu.memory_space<vmem>> -> memref<1x8x1024xf32, #tpu.memory_space<vmem>>
    %dma_wait3A_414 = tpu.memref_squeeze %dma_wait3A_413 : memref<1x8x1024xf32, #tpu.memory_space<vmem>> -> memref<8x1024xf32, #tpu.memory_space<vmem>>
    %dma_wait3A_415 = arith.constant 0 : i32
    %dma_wait3A_416 = tpu.memref_slice %arg4[%add3A_409, %dma_wait3A_415] : memref<32768x1024xf32, #tpu.memory_space<hbm>> -> memref<8x1024xf32, #tpu.memory_space<hbm>>
    %dma_wait3A_417 = arith.constant 0 : i32
    %dma_wait3A_418 = tpu.memref_slice %arg4[%add3A_409, %dma_wait3A_417] : memref<32768x1024xf32, #tpu.memory_space<hbm>> -> memref<8x1024xf32, #tpu.memory_space<hbm>>
    %dma_wait3A_419 = arith.constant 0 : i32
    %dma_wait3A_420 = arith.constant 0 : i32
    %dma_wait3A_421 = tpu.memref_slice %arg6[%dma_wait3A_410, %dma_wait3A_419, %dma_wait3A_420] : memref<8x8x1024xf32, #tpu.memory_space<vmem>> -> memref<1x8x1024xf32, #tpu.memory_space<vmem>>
    %dma_wait3A_422 = tpu.memref_squeeze %dma_wait3A_421 : memref<1x8x1024xf32, #tpu.memory_space<vmem>> -> memref<8x1024xf32, #tpu.memory_space<vmem>>
    tpu.wait_dma2 semaphore(%arg21 : memref<!tpu.dma_semaphore, #tpu.memory_space<semaphore_mem>>) src(%dma_wait3A_422 : memref<8x1024xf32, #tpu.memory_space<vmem>>) dst(%dma_wait3A_418 : memref<8x1024xf32, #tpu.memory_space<hbm>>)
    %add3A_423 = arith.constant 1016 : i32
    %add3A_424 = arith.addi %mul3A_2, %add3A_423 : i32
    %dma_wait3A_425 = arith.constant 7 : i32
    %dma_wait3A_426 = arith.constant 0 : i32
    %dma_wait3A_427 = arith.constant 0 : i32
    %dma_wait3A_428 = tpu.memref_slice %arg6[%dma_wait3A_425, %dma_wait3A_426, %dma_wait3A_427] : memref<8x8x1024xf32, #tpu.memory_space<vmem>> -> memref<1x8x1024xf32, #tpu.memory_space<vmem>>
    %dma_wait3A_429 = tpu.memref_squeeze %dma_wait3A_428 : memref<1x8x1024xf32, #tpu.memory_space<vmem>> -> memref<8x1024xf32, #tpu.memory_space<vmem>>
    %dma_wait3A_430 = arith.constant 0 : i32
    %dma_wait3A_431 = tpu.memref_slice %arg4[%add3A_424, %dma_wait3A_430] : memref<32768x1024xf32, #tpu.memory_space<hbm>> -> memref<8x1024xf32, #tpu.memory_space<hbm>>
    %dma_wait3A_432 = arith.constant 0 : i32
    %dma_wait3A_433 = tpu.memref_slice %arg4[%add3A_424, %dma_wait3A_432] : memref<32768x1024xf32, #tpu.memory_space<hbm>> -> memref<8x1024xf32, #tpu.memory_space<hbm>>
    %dma_wait3A_434 = arith.constant 0 : i32
    %dma_wait3A_435 = arith.constant 0 : i32
    %dma_wait3A_436 = tpu.memref_slice %arg6[%dma_wait3A_425, %dma_wait3A_434, %dma_wait3A_435] : memref<8x8x1024xf32, #tpu.memory_space<vmem>> -> memref<1x8x1024xf32, #tpu.memory_space<vmem>>
    %dma_wait3A_437 = tpu.memref_squeeze %dma_wait3A_436 : memref<1x8x1024xf32, #tpu.memory_space<vmem>> -> memref<8x1024xf32, #tpu.memory_space<vmem>>
    tpu.wait_dma2 semaphore(%arg22 : memref<!tpu.dma_semaphore, #tpu.memory_space<semaphore_mem>>) src(%dma_wait3A_437 : memref<8x1024xf32, #tpu.memory_space<vmem>>) dst(%dma_wait3A_433 : memref<8x1024xf32, #tpu.memory_space<hbm>>)
    return
  }
}

</mosaic_0001>

<sc_bundles>
// kernel: kernel.3.cloned.1.call-start
scs
__scs_entry_jumppad:
0x0: {  	(pc) =	sbr.rel $0x88, $3  }
0x1: {  	(tag) =	ssettag $0x0;
	lr =	simm.s32 $0x1  }
0x2: {  	[smem:$0x3F9F] =	sst lr;
	_ =	strace $0xD0000000  }
0x3: {  	_ = 	snop  }
0x4: {  	_ = 	snop  }
0x5: {  	_ = 	snop  }
0x6: {  	_ = 	snop  }
0x7: {  	_ = 	snop  }
__scs_overlays_trampoline_lowered:
0x8: {  	[smem:$0x3FAE] =	sst s0  }
0x9: {  	[smem:$0x3FAF] =	sst s1  }
0xa: {  	[smem:$0x3FB0] =	sst s2  }
0xb: {  	[smem:$0x3FB1] =	sst s3  }
0xc: {  	[smem:$0x3FB2] =	sst s4  }
0xd: {  	[smem:$0x3FB3] =	sst s5  }
0xe: {  	[smem:$0x3FB4] =	sst s6  }
0xf: {  	[smem:$0x3FB5] =	sst s7  }
0x10: {  	[smem:$0x3FB6] =	sst s8  }
0x11: {  	[smem:$0x3FB7] =	sst s9;
	s0 =	simm.s32 @!p0 $0x0  }
0x12: {  	s1 =	sld [smem:$0x3F9D];
	s0 =	simm.s32 @p0 $0x1  }
0x13: {  	[smem:$0x3FB8] =	sst s0;
	s0 =	simm.s32 @!p1 $0x0  }
0x14: {  	s2 =	sld [smem:$0x3F9C];
	s0 =	simm.s32 @p1 $0x1  }
0x15: {  	[smem:$0x3FB9] =	sst s0;
	s0 =	simm.s32 @!p2 $0x0  }
0x16: {  	s3 =	sld [smem:$0x3FDB];
	s0 =	simm.s32 @p2 $0x1  }
0x17: {  	s4 =	simm.s32 $0x1BF5;
	[smem:$0x3FBB] =	sst s0  }
0x18: {  	s0 =	sld [smem:$0x3F9E];
	_ =	swait.ge [sflag:s4], $0x0  }
0x19: {  	s7 =	sld [smem:$0x3F9F]  }
0x1a: {  	s8 =	sadd.s32 $0xFFFFE003, lr  }
0x1b: {  	s9 =	sadd.s32 $0xFFFFFEF7, lr;
	s5 =	simm.s32 $0xFFFFFFFF;
	p2 =	slt.u32 s8, $0xFFFFF086  }
0x1c: {  	p1 =	slt.u32 s9, $0xF7A;
	s5 =	simm.s32 @!p2 $0x0  }
0x1d: {  	s5 =	simm.s32 @p1 $0x1;
	p0 =	seq.s32 s7, s2  }
0x1e: {  	s7 =	smul.u32 @!p0 $0xF7A, s2;
	p2 =	seq.s32 @!p0 s5, $0x0  }
0x1f: {  	s9 =	smul.u32 $0xF7A, s1;
	s8 =	simm.s32 @!p0 $0x1BF5;
	p2 =	por !p2, p0  }
0x20: {  	[sflag:s8] =	ssyncset.s32 @!p0 $0xFFFFF086;
	s6 =	sadd.s32 @!p0 s3, s7;
	s7 =	simm.s32 @!p0 $0x108  }
0x21: {  	s3 =	sadd.s32 s3, s9;
	s6 =	sadd.s32 @!p0 $0x88, s6;
	s7 =	simm.s32 @p2 $0x1082  }
0x22: {  	[simem:s7], [sflag:s8] =	dma.local @!p0 [hbm:s6], $0xF7A  }
0x23: {  	s9 =	sor.u32 $0xD0000000, s2;
	s6 =	simm.s32 $0x108;
	_ =	swait.ge @!p0 [sflag:s8], $0x0  }
0x24: {  	s3 =	sadd.s32 $0x88, s3;
	s6 =	simm.s32 @!p1 $0x1082;
	[sflag:s4] =	ssyncset.s32 $0xFFFFF086  }
0x25: {  	[simem:s6], [sflag:s4] =	dma.local [hbm:s3], $0xF7A  }
0x26: {  	[smem:$0x3F9F] =	sst s1;
	(tag) =	ssettag s2;
	_ =	strace s9  }
0x27: {  	s1 =	sld [smem:$0x3FAF]  }
0x28: {  	s2 =	sld [smem:$0x3FB0]  }
0x29: {  	s4 =	sld [smem:$0x3FB2]  }
0x2a: {  	p0 =	seq.s32 s5, $0x0;
	s5 =	sld [smem:$0x3FB3]  }
0x2b: {  	s6 =	sld [smem:$0x3FB4]  }
0x2c: {  	s7 =	sld [smem:$0x3FB5]  }
0x2d: {  	s3 =	simm.s32 $0x108;
	s8 =	sld [smem:$0x3FB6]  }
0x2e: {  	s3 =	simm.s32 @!p0 $0x1082;
	s9 =	sld [smem:$0x3FB7]  }
0x2f: {  	lr =	sadd.s32 s0, s3;
	s0 =	sld [smem:$0x3FAE]  }
0x30: {  	s3 =	sld [smem:$0x3FB1]  }
0x31: {  	[smem:$0x3FBA] =	sst s10  }
0x32: {  	s10 =	sld [smem:$0x3FB8];
	_ =	sdelay $0x3  }
0x33: {  	p0 =	seq.s32 s10, $0x1;
	s10 =	sld [smem:$0x3FBA];
	_ =	sdelay $0x3  }
0x34: {  	[smem:$0x3FBA] =	sst s10  }
0x35: {  	s10 =	sld [smem:$0x3FB9];
	_ =	sdelay $0x3  }
0x36: {  	p1 =	seq.s32 s10, $0x1;
	s10 =	sld [smem:$0x3FBA];
	_ =	sdelay $0x3  }
0x37: {  	[smem:$0x3FBA] =	sst s10  }
0x38: {  	s10 =	sld [smem:$0x3FBB]  }
0x39: {  	_ = 	snop;
	(pc) =	sbr.ind lr, $3  }
0x3a: {  	_ = 	snop  }
0x3b: {  	_ = 	snop  }
0x3c: {  	p2 =	seq.s32 s10, $0x1;
	s10 =	sld [smem:$0x3FBA]  }
0x3d: {  	_ =	shalt  }
0x3e: {  	_ =	shalt  }
0x3f: {  	_ =	shalt  }
0x40: {  	_ =	shalt  }
0x41: {  	_ =	shalt  }
0x42: {  	_ =	shalt  }
0x43: {  	_ =	shalt  }
0x44: {  	_ =	shalt  }
0x45: {  	_ =	shalt  }
0x46: {  	_ =	shalt  }
0x47: {  	_ =	shalt  }
0x48: {  	_ =	shalt  }
0x49: {  	_ =	shalt  }
0x4a: {  	_ =	shalt  }
0x4b: {  	_ =	shalt  }
0x4c: {  	_ =	shalt  }
0x4d: {  	_ =	shalt  }
0x4e: {  	_ =	shalt  }
0x4f: {  	_ =	shalt  }
0x50: {  	_ =	shalt  }
0x51: {  	_ =	shalt  }
0x52: {  	_ =	shalt  }
0x53: {  	_ =	shalt  }
0x54: {  	_ =	shalt  }
0x55: {  	_ =	shalt  }
0x56: {  	_ =	shalt  }
0x57: {  	_ =	shalt  }
0x58: {  	_ =	shalt  }
0x59: {  	_ =	shalt  }
0x5a: {  	_ =	shalt  }
0x5b: {  	_ =	shalt  }
0x5c: {  	_ =	shalt  }
0x5d: {  	_ =	shalt  }
0x5e: {  	_ =	shalt  }
0x5f: {  	_ =	shalt  }
0x60: {  	_ =	shalt  }
0x61: {  	_ =	shalt  }
0x62: {  	_ =	shalt  }
0x63: {  	_ =	shalt  }
0x64: {  	_ =	shalt  }
0x65: {  	_ =	shalt  }
0x66: {  	_ =	shalt  }
0x67: {  	_ =	shalt  }
0x68: {  	_ =	shalt  }
0x69: {  	_ =	shalt  }
0x6a: {  	_ =	shalt  }
0x6b: {  	_ =	shalt  }
0x6c: {  	_ =	shalt  }
0x6d: {  	_ =	shalt  }
0x6e: {  	_ =	shalt  }
0x6f: {  	_ =	shalt  }
0x70: {  	_ =	shalt  }
0x71: {  	_ =	shalt  }
0x72: {  	_ =	shalt  }
0x73: {  	_ =	shalt  }
0x74: {  	_ =	shalt  }
0x75: {  	_ =	shalt  }
0x76: {  	_ =	shalt  }
0x77: {  	_ =	shalt  }
0x78: {  	_ =	shalt  }
0x79: {  	_ =	shalt  }
0x7a: {  	_ =	shalt  }
0x7b: {  	_ =	shalt  }
0x7c: {  	_ =	shalt  }
0x7d: {  	_ =	shalt  }
0x7e: {  	_ =	shalt  }
0x7f: {  	_ =	shalt  }
0x80: {  	_ =	shalt  }
0x81: {  	_ =	shalt  }
0x82: {  	_ =	shalt  }
0x83: {  	_ =	shalt  }
0x84: {  	_ =	shalt  }
0x85: {  	_ =	shalt  }
0x86: {  	_ =	shalt  }
0x87: {  	_ =	shalt  }
.Lfunc_end0:
.L_simem_size_0:
called_computation_lowered:
.L_overlay_start_0:
0x88: {  	s2 =	sld [smem:$0x3FD9]  }
0x89: {  	s3 =	sld [smem:$0x3FFE];
	_ =	sdelay $0x1  }
0x8a: {  	s1 =	srdreg.scid  }
0x8b: {  	s0 =	sand.u32 $0x1, s1  }
0x8c: {  	s17 =	sshll.u32 s0, $0xA;
	s2 =	sadd.s32 s3, s2  }
0x8d: {  	s2 =	sadd.s32 s2, s17  }
0x8e: {  	[smem:$0x3FC6] =	sst s2  }
0x8f: {  	_ = 	snop  }
0x90: {  	s2 =	sld [smem:$0x3FC8]  }
0x91: {  	s18 =	sld [smem:$0x3FD0];
	(tm) =	ssettm $0x1  }
0x92: {  	s4 =	sld [smem:$0x3FFB];
	_ =	sdelay $0x3  }
0x93: {  	_ =	strace s4  }
0x94: {  	s4 =	sld [smem:$0x3FFC];
	_ =	sdelay $0x3  }
0x95: {  	_ =	strace s4  }
0x96: {  	s4 =	sld [smem:$0x3FFD];
	_ =	sdelay $0x3  }
0x97: {  	_ =	strace s4  }
0x98: {  	_ =	strace $0x8FFFFFFF  }
0x99: {  	s19 =	sld [smem:$0x3FDB];
	_ =	sdelay $0x1  }
0x9a: {  	s5 =	simm.s32 $_scs_section_size  }
0x9b: {  	s6 =	simm.s32 $_size__tile_overlayer_lowered;
	s7 =	simm.s32 $_tile_overlayer_lowered  }
0x9c: {  	s22 =	simm.s32 $0x1BFF;
	s21 =	sshll.u32 s7, $0x1;
	s4 =	sadd.s32 s5, s19  }
0x9d: {  	s8 =	simm.s32 $0x0;
	s20 =	sshll.u32 s6, $0x1;
	s6 =	sadd.s32 s21, s4  }
0x9e: {  	[timem:s8], [sflag:s22] =	dma.local [hbm:s6], s20  }
0x9f: {  	_ =	swait.ge [sflag:s22], s20  }
0xa0: {  	s5 =	ssub.s32 $0x0, s20;
	[sflag:s22] =	ssyncset.done $0x0  }
0xa1: {  	[sflag:s22] =	ssyncadd.s32 s5;
	_ =	sdelay $0x1  }
0xa2: {  	s23 =	simm.s32 $0x1B8B  }
0xa3: {  	_ =	swait.ge [sflag:s23], $0x1  }
0xa4: {  	[sflag:s23] =	ssyncset.done $0x0  }
0xa5: {  	s25 =	simm.s32 $0x1B8E;
	s24 =	sld [smem:$0x3FFE];
	[sflag:s23] =	ssyncadd.s32 $0xFFFFFFFF  }
0xa6: {  	s26 =	simm.s32 $execute0_lowered;
	[smem:$0x3FD2] =	sst s25  }
0xa7: {  	s6 =	sshll.u32 s26, $0x1;
	_ =	strace $0x80000046;
	[dreg:$0x1] =	wrdreg $0xFFFFFFFF  }
0xa8: {  	s28 =	simm.s32 $_size_execute0_lowered;
	s4 =	sadd.s32 s4, s6;
	[dreg:$0x0] =	wrdreg $0x0  }
0xa9: {  	s6 =	sshll.u32 s28, $0x1;
	[dreg:$0x2] =	wrdreg s4  }
0xaa: {  	[dreg:$0x3] =	wrdreg s6  }
0xab: {  	[dreg:$0x4] =	wrdreg $0xC0  }
0xac: {  	_ =	task [dreg:s8], $0x5FFFF  }
0xad: {  	[dreg:$0x1] =	wrdreg $0xFFFFFFFF  }
0xae: {  	[dreg:$0x0] =	wrdreg $0x60  }
0xaf: {  	[dreg:$0x2] =	wrdreg s2  }
0xb0: {  	[dreg:$0x3] =	wrdreg s24  }
0xb1: {  	[dreg:$0x4] =	wrdreg s18  }
0xb2: {  	[dreg:$0x5] =	wrdreg $0x9  }
0xb3: {  	_ =	task.clear_ibuf [dreg:s8], $0x6FFFF;
	_ =	strace $0x90000046  }
0xb4: {  	s29 =	simm.s32 $0x9;
	_ =	strace $0x80000048  }
0xb5: {  	_ =	swait.ge [sflag:s29], $0x1  }
0xb6: {  	[sflag:s29] =	ssyncadd.s32 $0xFFFFFFFF  }
0xb7: {  	_ =	strace $0x90000048  }
0xb8: {  	_ =	sfence  }
0xb9: {  	s30 =	sld [smem:$0x0];
	_ =	sdelay $0x2  }
0xba: {  	s31 =	sshll.u32 s1, $0xD;
	s1 =	sshrl.u32 s1, $0x2  }
0xbb: {  	s3 =	sand.u32 $0x4000, s31;
	s1 =	sadd.s32 s1, s30  }
0xbc: {  	s0 =	sor.u32 s3, s0;
	s1 =	sshll.u32 s1, $0x11  }
0xbd: {  	s0 =	sor.u32 s1, s0  }
0xbe: {  	s0 =	sadd.s32 $0x8F2B, s0  }
0xbf: {  	[sflag:s0] =	ssyncadd.remote.s32 $0x1  }
0xc0: {  	_ =	sfence.sel $0xFFFF  }
0xc1: {  	[dreg:$0x0] =	wrdreg $0xFFFFFFFF;
	(pc) =	sbr.abs _section_cstart, $3  }
0xc2: {  	[dreg:$0x1] =	wrdreg $0xFFFFFFFF  }
0xc3: {  	_ =	task.clear_ibuf [dreg:s8], $0x2FFFF;
	_ =	strace $0x9FFFFFFF  }
0xc4: {  	(tm) =	ssettm $0x7FFFFFFF  }
0xc5: {  	_ =	shalt  }
tec
execute0_lowered:
.L_overlay_start_1:
0x0: {  	(tag) =	ssettag $0x1  }
0x1: {  	s2 =	rddreg [dreg:$0x0]  }
0x2: {  	s0 =	rddreg [dreg:$0x1]  }
0x3: {  	s1 =	rddreg [dreg:$0x2];
	s3 =	srdreg.scid  }
0x4: {  	s9 =	stileid.u32;
	s13 =	simm.s32 $0x5000;
	s12 =	simm.s32 $0x7000  }
0x5: {  	s31 =	simm.s32 $0xE000;
	s28 =	simm.s32 $0xE800;
	s11 =	simm.s32 $0xF800  }
0x6: {  	s30 =	simm.s32 $0x11800;
	s29 =	simm.s32 $0x12000;
	s14 =	simm.s32 $0xA  }
0x7: {  	s15 =	simm.s32 $0x6;
	s4 =	sand.u32 $0x1, s3;
	s5 =	sshll.u32 s9, $0x1  }
0x8: {  	s3 =	simm.s32 $0x0;
	s22 =	sshll.u32 s9, $0x12;
	s9 =	simm.s32 $0xC000  }
0x9: {  	s6 =	sor.u32 s4, s5;
	s16 =	ssub.s32 $0x2, s4;
	[smem:$0x7FF] =	sst s3  }
0xa: {  	s5 =	sadd.s32 $0x100, s2;
	s7 =	sshll.u32 s6, $0xB;
	s17 =	sshll.u32 s6, $0x11  }
0xb: {  	s24 =	sshll.u32 s4, $0x11;
	s0 =	sadd.s32 s7, s0;
	s10 =	sadd.s32 s1, s17  }
0xc: {  	_ =	strace $0x80000047;
	s0 =	sadd.s32 $0x400, s0;
	[dreg:$0x6] =	wrdreg s10  }
0xd: {  	s4 =	simm.s32 $0x4000;
	s18 =	sadd.s32 $0x800, s10;
	[dreg:$0x5] =	wrdreg s0  }
0xe: {  	s8 =	sshrl.u32 s16, $0x1;
	s19 =	sadd.s32 $0x1EC00, s10;
	[dreg:$0x8] =	wrdreg s18  }
0xf: {  	s6 =	sadd.s32 $0x200, s2;
	s20 =	sadd.s32 $0x1F000, s10;
	[dreg:$0x9] =	wrdreg s19  }
0x10: {  	s8 =	ssub.s32 s16, s8;
	s21 =	sadd.s32 $0x1F400, s10;
	[dreg:$0xa] =	wrdreg s20  }
0x11: {  	s7 =	sadd.s32 $0x300, s2;
	s23 =	sadd.s32 $0x1F800, s10;
	[dreg:$0xb] =	wrdreg s21  }
0x12: {  	s16 =	simm.s32 $0xB;
	s25 =	sadd.s32 $0x1FC00, s10;
	[dreg:$0xc] =	wrdreg s23  }
0x13: {  	s17 =	simm.s32 $0x7;
	s26 =	smax.u32 s8, $0x1;
	[dreg:$0xd] =	wrdreg s25  }
0x14: {  	s8 =	simm.s32 $0xA000;
	s0 =	sadd.s32 $0x400, s10;
	[dreg:$0xe] =	wrdreg s26  }
0x15: {  	s25 =	simm.s32 $0x5800;
	s10 =	simm.s32 $0x6000;
	s26 =	simm.s32 $0x6800  }
0x16: {  	s21 =	simm.s32 $0xC800;
	s19 =	simm.s32 $0xC;
	s20 =	simm.s32 $0x8  }
0x17: {  	v0 =	vlaneseq.u32;
	s23 =	simm.s32 $0xD;
	[dreg:$0x7] =	wrdreg s0;
	s0 =	sadd.s32 s22, s1  }
0x18: {  	v1 =	vshrl.u32 v0, $0x3;
	s22 =	simm.s32 $0x10000;
	s1 =	simm.s32 $0x0;
	s0 =	sadd.s32 s24, s0  }
0x19: {  	vm0 =	vmmov $0xffff;
	v0 =	vand.u32 $0x7, v0;
	v1 =	vmul.u32 $0x8, v1;
	s24 =	simm.s32 $0x4800;
	[dreg:$0x4] =	wrdreg s0;
	s0 =	simm.s32 $0x13800  }
.LBB2_1:
0x1a: {  	[dreg:$0xf] =	wrdreg s1  }
0x1b: {  	s18 =	rddreg [dreg:$0x5];
	s1 =	simm.s32 $0x11  }
0x1c: {  	[tilespmem:s3], [sflag:$0x11] =	stream.linear.gather [hbm4b:s18+s3], $0x4000, $0x38;
	[tilespmem:$0x14000] =	vst v63  }
0x1d: {  	_ =	swait.ge [sflag:s1], $0x4000  }
0x1e: {  	[sflag:s1] =	ssyncset.done $0x0  }
0x1f: {  	[sflag:s1] =	ssyncadd.s32 $0xFFFFC000  }
0x20: {  	v2 =	vld.msk [tilespmem:$0x0], $0xff;
	_ =	sdelay $0x4  }
0x21: {  	v3 =	vshll.u32 v2, $0x3  }
0x22: {  	v2 =	vand.u32 $0x7, v2;
	v3 =	vand.u32 $0xFFFFFFC0, v3  }
0x23: {  	v2 =	vor.u32 v2, v3  }
0x24: {  	v2 =	vperm.xlane v2, v0;
	_ =	sdelay $0x1  }
0x25: {  	v2 =	vadd.s32 v1, v2;
	_ =	sdelay $0x4  }
0x26: {  	[tilespmem:s4], [sflag:$0x1] =	stream.indirect_vreg.gather [hbm4b:s2+s3], $0x80, v2, vm0, $0xb8;
	[tilespmem:$0x14000] =	vst v63  }
0x27: {  	_ = 	snop  }
0x28: {  	[tilespmem:s24], [sflag:$0x1] =	stream.indirect_vreg.gather [hbm4b:s5+s3], $0x80, v2, vm0, $0xb8;
	[tilespmem:$0x14000] =	vst v63  }
0x29: {  	_ = 	snop  }
0x2a: {  	[tilespmem:s13], [sflag:$0x1] =	stream.indirect_vreg.gather [hbm4b:s6+s3], $0x80, v2, vm0, $0xb8;
	[tilespmem:$0x14000] =	vst v63  }
0x2b: {  	_ = 	snop  }
0x2c: {  	[tilespmem:s25], [sflag:$0x1] =	stream.indirect_vreg.gather [hbm4b:s7+s3], $0x80, v2, vm0, $0xb8;
	[tilespmem:$0x14000] =	vst v63  }
0x2d: {  	v2 =	vld.msk [tilespmem:$0x80], $0xff;
	_ =	sdelay $0x4  }
0x2e: {  	v3 =	vshll.u32 v2, $0x3  }
0x2f: {  	v2 =	vand.u32 $0x7, v2;
	v3 =	vand.u32 $0xFFFFFFC0, v3  }
0x30: {  	v2 =	vor.u32 v2, v3  }
0x31: {  	v2 =	vperm.xlane v2, v0;
	_ =	sdelay $0x1  }
0x32: {  	v2 =	vadd.s32 v1, v2;
	_ =	sdelay $0x4  }
0x33: {  	[tilespmem:s10], [sflag:$0x2] =	stream.indirect_vreg.gather [hbm4b:s2+s3], $0x80, v2, vm0, $0xb8;
	[tilespmem:$0x14000] =	vst v63  }
0x34: {  	_ = 	snop  }
0x35: {  	[tilespmem:s26], [sflag:$0x2] =	stream.indirect_vreg.gather [hbm4b:s5+s3], $0x80, v2, vm0, $0xb8;
	[tilespmem:$0x14000] =	vst v63  }
0x36: {  	_ = 	snop  }
0x37: {  	[tilespmem:s12], [sflag:$0x2] =	stream.indirect_vreg.gather [hbm4b:s6+s3], $0x80, v2, vm0, $0xb8;
	[tilespmem:$0x14000] =	vst v63  }
0x38: {  	s12 =	simm.s32 $0x7800  }
0x39: {  	[tilespmem:s12], [sflag:$0x2] =	stream.indirect_vreg.gather [hbm4b:s7+s3], $0x80, v2, vm0, $0xb8;
	[tilespmem:$0x14000] =	vst v63  }
0x3a: {  	v2 =	vld.msk [tilespmem:$0x100], $0xff;
	_ =	sdelay $0x4  }
0x3b: {  	v3 =	vshll.u32 v2, $0x3  }
0x3c: {  	v2 =	vand.u32 $0x7, v2;
	v3 =	vand.u32 $0xFFFFFFC0, v3  }
0x3d: {  	v2 =	vor.u32 v2, v3  }
0x3e: {  	v2 =	vperm.xlane v2, v0;
	_ =	sdelay $0x1  }
0x3f: {  	v2 =	vadd.s32 v1, v2;
	_ =	sdelay $0x3  }
0x40: {  	s24 =	simm.s32 $0x8000  }
0x41: {  	[tilespmem:s24], [sflag:$0x3] =	stream.indirect_vreg.gather [hbm4b:s2+s3], $0x80, v2, vm0, $0xb8;
	[tilespmem:$0x14000] =	vst v63  }
0x42: {  	s13 =	simm.s32 $0x8800  }
0x43: {  	[tilespmem:s13], [sflag:$0x3] =	stream.indirect_vreg.gather [hbm4b:s5+s3], $0x80, v2, vm0, $0xb8;
	[tilespmem:$0x14000] =	vst v63  }
0x44: {  	s18 =	simm.s32 $0x9000  }
0x45: {  	[tilespmem:s18], [sflag:$0x3] =	stream.indirect_vreg.gather [hbm4b:s6+s3], $0x80, v2, vm0, $0xb8;
	[tilespmem:$0x14000] =	vst v63  }
0x46: {  	s25 =	simm.s32 $0x9800  }
0x47: {  	[tilespmem:s25], [sflag:$0x3] =	stream.indirect_vreg.gather [hbm4b:s7+s3], $0x80, v2, vm0, $0xb8;
	[tilespmem:$0x14000] =	vst v63  }
0x48: {  	v2 =	vld.msk [tilespmem:$0x180], $0xff;
	_ =	sdelay $0x4  }
0x49: {  	v3 =	vshll.u32 v2, $0x3  }
0x4a: {  	v2 =	vand.u32 $0x7, v2;
	v3 =	vand.u32 $0xFFFFFFC0, v3  }
0x4b: {  	v2 =	vor.u32 v2, v3  }
0x4c: {  	v2 =	vperm.xlane v2, v0;
	_ =	sdelay $0x1  }
0x4d: {  	v2 =	vadd.s32 v1, v2;
	_ =	sdelay $0x4  }
0x4e: {  	[tilespmem:s8], [sflag:$0x4] =	stream.indirect_vreg.gather [hbm4b:s2+s3], $0x80, v2, vm0, $0xb8;
	[tilespmem:$0x14000] =	vst v63  }
0x4f: {  	s26 =	simm.s32 $0xA800  }
0x50: {  	[tilespmem:s26], [sflag:$0x4] =	stream.indirect_vreg.gather [hbm4b:s5+s3], $0x80, v2, vm0, $0xb8;
	[tilespmem:$0x14000] =	vst v63  }
0x51: {  	s8 =	simm.s32 $0xB000  }
0x52: {  	[tilespmem:s8], [sflag:$0x4] =	stream.indirect_vreg.gather [hbm4b:s6+s3], $0x80, v2, vm0, $0xb8;
	[tilespmem:$0x14000] =	vst v63  }
0x53: {  	s10 =	simm.s32 $0xB800  }
0x54: {  	[tilespmem:s10], [sflag:$0x4] =	stream.indirect_vreg.gather [hbm4b:s7+s3], $0x80, v2, vm0, $0xb8;
	[tilespmem:$0x14000] =	vst v63  }
0x55: {  	v2 =	vld.msk [tilespmem:$0x200], $0xff;
	_ =	sdelay $0x4  }
0x56: {  	v3 =	vshll.u32 v2, $0x3  }
0x57: {  	v2 =	vand.u32 $0x7, v2;
	v3 =	vand.u32 $0xFFFFFFC0, v3  }
0x58: {  	v2 =	vor.u32 v2, v3  }
0x59: {  	v2 =	vperm.xlane v2, v0;
	_ =	sdelay $0x1  }
0x5a: {  	v2 =	vadd.s32 v1, v2;
	_ =	sdelay $0x4  }
0x5b: {  	[tilespmem:s9], [sflag:$0x5] =	stream.indirect_vreg.gather [hbm4b:s2+s3], $0x80, v2, vm0, $0xb8;
	[tilespmem:$0x14000] =	vst v63  }
0x5c: {  	_ = 	snop  }
0x5d: {  	[tilespmem:s21], [sflag:$0x5] =	stream.indirect_vreg.gather [hbm4b:s5+s3], $0x80, v2, vm0, $0xb8;
	[tilespmem:$0x14000] =	vst v63  }
0x5e: {  	s12 =	simm.s32 $0xD000  }
0x5f: {  	[tilespmem:s12], [sflag:$0x5] =	stream.indirect_vreg.gather [hbm4b:s6+s3], $0x80, v2, vm0, $0xb8;
	[tilespmem:$0x14000] =	vst v63  }
0x60: {  	s13 =	simm.s32 $0xD800  }
0x61: {  	[tilespmem:s13], [sflag:$0x5] =	stream.indirect_vreg.gather [hbm4b:s7+s3], $0x80, v2, vm0, $0xb8;
	[tilespmem:$0x14000] =	vst v63  }
0x62: {  	v2 =	vld.msk [tilespmem:$0x280], $0xff;
	_ =	sdelay $0x4  }
0x63: {  	v3 =	vshll.u32 v2, $0x3  }
0x64: {  	v2 =	vand.u32 $0x7, v2;
	v3 =	vand.u32 $0xFFFFFFC0, v3  }
0x65: {  	v2 =	vor.u32 v2, v3  }
0x66: {  	v2 =	vperm.xlane v2, v0;
	_ =	sdelay $0x1  }
0x67: {  	v2 =	vadd.s32 v1, v2;
	_ =	sdelay $0x4  }
0x68: {  	[tilespmem:s31], [sflag:$0x6] =	stream.indirect_vreg.gather [hbm4b:s2+s3], $0x80, v2, vm0, $0xb8;
	[tilespmem:$0x14000] =	vst v63  }
0x69: {  	_ = 	snop  }
0x6a: {  	[tilespmem:s28], [sflag:$0x6] =	stream.indirect_vreg.gather [hbm4b:s5+s3], $0x80, v2, vm0, $0xb8;
	[tilespmem:$0x14000] =	vst v63  }
0x6b: {  	s18 =	simm.s32 $0xF000  }
0x6c: {  	[tilespmem:s18], [sflag:$0x6] =	stream.indirect_vreg.gather [hbm4b:s6+s3], $0x80, v2, vm0, $0xb8;
	[tilespmem:$0x14000] =	vst v63  }
0x6d: {  	_ = 	snop  }
0x6e: {  	[tilespmem:s11], [sflag:$0x6] =	stream.indirect_vreg.gather [hbm4b:s7+s3], $0x80, v2, vm0, $0xb8;
	[tilespmem:$0x14000] =	vst v63  }
0x6f: {  	v2 =	vld.msk [tilespmem:$0x300], $0xff;
	_ =	sdelay $0x4  }
0x70: {  	v3 =	vshll.u32 v2, $0x3  }
0x71: {  	v2 =	vand.u32 $0x7, v2;
	v3 =	vand.u32 $0xFFFFFFC0, v3  }
0x72: {  	v2 =	vor.u32 v2, v3  }
0x73: {  	v2 =	vperm.xlane v2, v0;
	_ =	sdelay $0x1  }
0x74: {  	v2 =	vadd.s32 v1, v2;
	_ =	sdelay $0x4  }
0x75: {  	[tilespmem:s22], [sflag:$0x7] =	stream.indirect_vreg.gather [hbm4b:s2+s3], $0x80, v2, vm0, $0xb8;
	[tilespmem:$0x14000] =	vst v63  }
0x76: {  	s21 =	simm.s32 $0x10800  }
0x77: {  	[tilespmem:s21], [sflag:$0x7] =	stream.indirect_vreg.gather [hbm4b:s5+s3], $0x80, v2, vm0, $0xb8;
	[tilespmem:$0x14000] =	vst v63  }
0x78: {  	s22 =	simm.s32 $0x11000  }
0x79: {  	[tilespmem:s22], [sflag:$0x7] =	stream.indirect_vreg.gather [hbm4b:s6+s3], $0x80, v2, vm0, $0xb8;
	[tilespmem:$0x14000] =	vst v63  }
0x7a: {  	_ = 	snop  }
0x7b: {  	[tilespmem:s30], [sflag:$0x7] =	stream.indirect_vreg.gather [hbm4b:s7+s3], $0x80, v2, vm0, $0xb8;
	[tilespmem:$0x14000] =	vst v63  }
0x7c: {  	v2 =	vld.msk [tilespmem:$0x380], $0xff;
	_ =	sdelay $0x4  }
0x7d: {  	v3 =	vshll.u32 v2, $0x3  }
0x7e: {  	v2 =	vand.u32 $0x7, v2;
	v3 =	vand.u32 $0xFFFFFFC0, v3  }
0x7f: {  	v2 =	vor.u32 v2, v3  }
0x80: {  	v2 =	vperm.xlane v2, v0;
	_ =	sdelay $0x1  }
0x81: {  	v2 =	vadd.s32 v1, v2;
	_ =	sdelay $0x4  }
0x82: {  	[tilespmem:s29], [sflag:$0x8] =	stream.indirect_vreg.gather [hbm4b:s2+s3], $0x80, v2, vm0, $0xb8;
	[tilespmem:$0x14000] =	vst v63  }
0x83: {  	s25 =	simm.s32 $0x12800  }
0x84: {  	[tilespmem:s25], [sflag:$0x8] =	stream.indirect_vreg.gather [hbm4b:s5+s3], $0x80, v2, vm0, $0xb8;
	[tilespmem:$0x14000] =	vst v63  }
0x85: {  	s26 =	simm.s32 $0x13000  }
0x86: {  	[tilespmem:s26], [sflag:$0x8] =	stream.indirect_vreg.gather [hbm4b:s6+s3], $0x80, v2, vm0, $0xb8;
	[tilespmem:$0x14000] =	vst v63  }
0x87: {  	_ = 	snop  }
0x88: {  	[tilespmem:s0], [sflag:$0x8] =	stream.indirect_vreg.gather [hbm4b:s7+s3], $0x80, v2, vm0, $0xb8;
	[tilespmem:$0x14000] =	vst v63  }
0x89: {  	s0 =	simm.s32 $0x1  }
0x8a: {  	_ =	swait.ge [sflag:s0], $0x2000  }
0x8b: {  	[sflag:s0] =	ssyncset.done $0x0  }
0x8c: {  	s1 =	simm.s32 $0x2;
	s28 =	rddreg [dreg:$0x6];
	[sflag:s0] =	ssyncadd.s32 $0xFFFFE000  }
0x8d: {  	[hbm4b:s28+s3] =	stream.linear.scatter [tilespmem:s4], [sflag:$0x9], $0x2000, $0x38;
	[tilespmem:$0x14000] =	vst v63  }
0x8e: {  	_ =	swait.ge [sflag:s1], $0x2000  }
0x8f: {  	s29 =	simm.s32 $0x6000;
	[sflag:s1] =	ssyncset.done $0x0  }
0x90: {  	s4 =	simm.s32 $0x3;
	s30 =	rddreg [dreg:$0x7];
	[sflag:s1] =	ssyncadd.s32 $0xFFFFE000  }
0x91: {  	[hbm4b:s30+s3] =	stream.linear.scatter [tilespmem:s29], [sflag:$0xA], $0x2000, $0x38;
	[tilespmem:$0x14000] =	vst v63  }
0x92: {  	_ =	swait.ge [sflag:s4], $0x2000  }
0x93: {  	s10 =	simm.s32 $0x4;
	[sflag:s4] =	ssyncset.done $0x0  }
0x94: {  	s12 =	simm.s32 $0x5;
	s31 =	rddreg [dreg:$0x8];
	[sflag:s4] =	ssyncadd.s32 $0xFFFFE000  }
0x95: {  	[hbm4b:s31+s3] =	stream.linear.scatter [tilespmem:s24], [sflag:$0xB], $0x2000, $0x38;
	[tilespmem:$0x14000] =	vst v63  }
0x96: {  	s11 =	simm.s32 $0x9;
	s25 =	simm.s32 $0x0;
	s24 =	simm.s32 $0x780  }
.LBB2_2:
0x97: {  	_ =	swait.ge [sflag:s10], $0x2000  }
0x98: {  	s18 =	rddreg [dreg:$0x4]  }
0x99: {  	[sflag:s10] =	ssyncset.done $0x0;
	s18 =	sadd.s32 s25, s18  }
0x9a: {  	s9 =	simm.s32 $0xA000;
	[sflag:s10] =	ssyncadd.s32 $0xFFFFE000;
	s22 =	sadd.s32 $0xC00, s18  }
0x9b: {  	[hbm4b:s22+s3] =	stream.linear.scatter [tilespmem:s9], [sflag:$0xC], $0x2000, $0x38;
	[tilespmem:$0x14000] =	vst v63  }
0x9c: {  	_ =	swait.ge [sflag:s11], $0x2000  }
0x9d: {  	[sflag:s11] =	ssyncset.done $0x0  }
0x9e: {  	[sflag:s11] =	ssyncadd.s32 $0xFFFFE000  }
0x9f: {  	v2 =	vld.msk [tilespmem:s24+$0xFFFFFC80], $0xff;
	_ =	sdelay $0x4  }
0xa0: {  	v3 =	vshll.u32 v2, $0x3  }
0xa1: {  	v2 =	vand.u32 $0x7, v2;
	v3 =	vand.u32 $0xFFFFFFC0, v3  }
0xa2: {  	v2 =	vor.u32 v2, v3  }
0xa3: {  	v2 =	vperm.xlane v2, v0;
	_ =	sdelay $0x1  }
0xa4: {  	v2 =	vadd.s32 v1, v2;
	_ =	sdelay $0x3  }
0xa5: {  	s31 =	simm.s32 $0x4000  }
0xa6: {  	[tilespmem:s31], [sflag:$0x1] =	stream.indirect_vreg.gather [hbm4b:s2+s3], $0x80, v2, vm0, $0xb8;
	[tilespmem:$0x14000] =	vst v63  }
0xa7: {  	s8 =	simm.s32 $0x4800  }
0xa8: {  	[tilespmem:s8], [sflag:$0x1] =	stream.indirect_vreg.gather [hbm4b:s5+s3], $0x80, v2, vm0, $0xb8;
	[tilespmem:$0x14000] =	vst v63  }
0xa9: {  	s26 =	simm.s32 $0x5000  }
0xaa: {  	[tilespmem:s26], [sflag:$0x1] =	stream.indirect_vreg.gather [hbm4b:s6+s3], $0x80, v2, vm0, $0xb8;
	[tilespmem:$0x14000] =	vst v63  }
0xab: {  	s30 =	simm.s32 $0x5800  }
0xac: {  	[tilespmem:s30], [sflag:$0x1] =	stream.indirect_vreg.gather [hbm4b:s7+s3], $0x80, v2, vm0, $0xb8;
	[tilespmem:$0x14000] =	vst v63  }
0xad: {  	_ =	swait.ge [sflag:s12], $0x2000  }
0xae: {  	[sflag:s12] =	ssyncset.done $0x0  }
0xaf: {  	s21 =	simm.s32 $0xC000;
	s13 =	sadd.s32 $0x1000, s18;
	[sflag:s12] =	ssyncadd.s32 $0xFFFFE000  }
0xb0: {  	[hbm4b:s13+s3] =	stream.linear.scatter [tilespmem:s21], [sflag:$0xD], $0x2000, $0x38;
	[tilespmem:$0x14000] =	vst v63  }
0xb1: {  	_ =	swait.ge [sflag:s14], $0x2000  }
0xb2: {  	[sflag:s14] =	ssyncset.done $0x0  }
0xb3: {  	[sflag:s14] =	ssyncadd.s32 $0xFFFFE000  }
0xb4: {  	v2 =	vld.msk [tilespmem:s24+$0xFFFFFD00], $0xff;
	_ =	sdelay $0x4  }
0xb5: {  	v3 =	vshll.u32 v2, $0x3  }
0xb6: {  	v2 =	vand.u32 $0x7, v2;
	v3 =	vand.u32 $0xFFFFFFC0, v3  }
0xb7: {  	v2 =	vor.u32 v2, v3  }
0xb8: {  	v2 =	vperm.xlane v2, v0;
	_ =	sdelay $0x1  }
0xb9: {  	v2 =	vadd.s32 v1, v2;
	_ =	sdelay $0x3  }
0xba: {  	s13 =	simm.s32 $0x6000  }
0xbb: {  	[tilespmem:s13], [sflag:$0x2] =	stream.indirect_vreg.gather [hbm4b:s2+s3], $0x80, v2, vm0, $0xb8;
	[tilespmem:$0x14000] =	vst v63  }
0xbc: {  	s26 =	simm.s32 $0x6800  }
0xbd: {  	[tilespmem:s26], [sflag:$0x2] =	stream.indirect_vreg.gather [hbm4b:s5+s3], $0x80, v2, vm0, $0xb8;
	[tilespmem:$0x14000] =	vst v63  }
0xbe: {  	s30 =	simm.s32 $0x7000  }
0xbf: {  	[tilespmem:s30], [sflag:$0x2] =	stream.indirect_vreg.gather [hbm4b:s6+s3], $0x80, v2, vm0, $0xb8;
	[tilespmem:$0x14000] =	vst v63  }
0xc0: {  	s22 =	simm.s32 $0x7800  }
0xc1: {  	[tilespmem:s22], [sflag:$0x2] =	stream.indirect_vreg.gather [hbm4b:s7+s3], $0x80, v2, vm0, $0xb8;
	[tilespmem:$0x14000] =	vst v63  }
0xc2: {  	_ =	swait.ge [sflag:s15], $0x2000  }
0xc3: {  	[sflag:s15] =	ssyncset.done $0x0  }
0xc4: {  	s28 =	simm.s32 $0xE000;
	s26 =	sadd.s32 $0x1400, s18;
	[sflag:s15] =	ssyncadd.s32 $0xFFFFE000  }
0xc5: {  	[hbm4b:s26+s3] =	stream.linear.scatter [tilespmem:s28], [sflag:$0xE], $0x2000, $0x38;
	[tilespmem:$0x14000] =	vst v63  }
0xc6: {  	_ =	swait.ge [sflag:s16], $0x2000  }
0xc7: {  	[sflag:s16] =	ssyncset.done $0x0  }
0xc8: {  	[sflag:s16] =	ssyncadd.s32 $0xFFFFE000  }
0xc9: {  	v2 =	vld.msk [tilespmem:s24+$0xFFFFFD80], $0xff;
	_ =	sdelay $0x4  }
0xca: {  	v3 =	vshll.u32 v2, $0x3  }
0xcb: {  	v2 =	vand.u32 $0x7, v2;
	v3 =	vand.u32 $0xFFFFFFC0, v3  }
0xcc: {  	v2 =	vor.u32 v2, v3  }
0xcd: {  	v2 =	vperm.xlane v2, v0;
	_ =	sdelay $0x1  }
0xce: {  	v2 =	vadd.s32 v1, v2;
	_ =	sdelay $0x3  }
0xcf: {  	s26 =	simm.s32 $0x8000  }
0xd0: {  	[tilespmem:s26], [sflag:$0x3] =	stream.indirect_vreg.gather [hbm4b:s2+s3], $0x80, v2, vm0, $0xb8;
	[tilespmem:$0x14000] =	vst v63  }
0xd1: {  	s30 =	simm.s32 $0x8800  }
0xd2: {  	[tilespmem:s30], [sflag:$0x3] =	stream.indirect_vreg.gather [hbm4b:s5+s3], $0x80, v2, vm0, $0xb8;
	[tilespmem:$0x14000] =	vst v63  }
0xd3: {  	s22 =	simm.s32 $0x9000  }
0xd4: {  	[tilespmem:s22], [sflag:$0x3] =	stream.indirect_vreg.gather [hbm4b:s6+s3], $0x80, v2, vm0, $0xb8;
	[tilespmem:$0x14000] =	vst v63  }
0xd5: {  	s30 =	simm.s32 $0x9800  }
0xd6: {  	[tilespmem:s30], [sflag:$0x3] =	stream.indirect_vreg.gather [hbm4b:s7+s3], $0x80, v2, vm0, $0xb8;
	[tilespmem:$0x14000] =	vst v63  }
0xd7: {  	_ =	swait.ge [sflag:s17], $0x2000  }
0xd8: {  	[sflag:s17] =	ssyncset.done $0x0  }
0xd9: {  	s29 =	simm.s32 $0x10000;
	s8 =	sadd.s32 $0x1800, s18;
	[sflag:s17] =	ssyncadd.s32 $0xFFFFE000  }
0xda: {  	[hbm4b:s8+s3] =	stream.linear.scatter [tilespmem:s29], [sflag:$0xF], $0x2000, $0x38;
	[tilespmem:$0x14000] =	vst v63  }
0xdb: {  	_ =	swait.ge [sflag:s19], $0x2000  }
0xdc: {  	[sflag:s19] =	ssyncset.done $0x0  }
0xdd: {  	[sflag:s19] =	ssyncadd.s32 $0xFFFFE000  }
0xde: {  	v2 =	vld.msk [tilespmem:s24+$0xFFFFFE00], $0xff;
	_ =	sdelay $0x4  }
0xdf: {  	v3 =	vshll.u32 v2, $0x3  }
0xe0: {  	v2 =	vand.u32 $0x7, v2;
	v3 =	vand.u32 $0xFFFFFFC0, v3  }
0xe1: {  	v2 =	vor.u32 v2, v3  }
0xe2: {  	v2 =	vperm.xlane v2, v0;
	_ =	sdelay $0x1  }
0xe3: {  	v2 =	vadd.s32 v1, v2;
	_ =	sdelay $0x4  }
0xe4: {  	[tilespmem:s9], [sflag:$0x4] =	stream.indirect_vreg.gather [hbm4b:s2+s3], $0x80, v2, vm0, $0xb8;
	[tilespmem:$0x14000] =	vst v63  }
0xe5: {  	s30 =	simm.s32 $0xA800  }
0xe6: {  	[tilespmem:s30], [sflag:$0x4] =	stream.indirect_vreg.gather [hbm4b:s5+s3], $0x80, v2, vm0, $0xb8;
	[tilespmem:$0x14000] =	vst v63  }
0xe7: {  	s22 =	simm.s32 $0xB000  }
0xe8: {  	[tilespmem:s22], [sflag:$0x4] =	stream.indirect_vreg.gather [hbm4b:s6+s3], $0x80, v2, vm0, $0xb8;
	[tilespmem:$0x14000] =	vst v63  }
0xe9: {  	s30 =	simm.s32 $0xB800  }
0xea: {  	[tilespmem:s30], [sflag:$0x4] =	stream.indirect_vreg.gather [hbm4b:s7+s3], $0x80, v2, vm0, $0xb8;
	[tilespmem:$0x14000] =	vst v63  }
0xeb: {  	_ =	swait.ge [sflag:s20], $0x2000  }
0xec: {  	[sflag:s20] =	ssyncset.done $0x0  }
0xed: {  	s9 =	sadd.s32 $0x1C00, s18;
	s30 =	simm.s32 $0x12000;
	[sflag:s20] =	ssyncadd.s32 $0xFFFFE000  }
0xee: {  	[hbm4b:s9+s3] =	stream.linear.scatter [tilespmem:s30], [sflag:$0x10], $0x2000, $0x38;
	[tilespmem:$0x14000] =	vst v63  }
0xef: {  	_ =	swait.ge [sflag:s23], $0x2000  }
0xf0: {  	[sflag:s23] =	ssyncset.done $0x0  }
0xf1: {  	[sflag:s23] =	ssyncadd.s32 $0xFFFFE000  }
0xf2: {  	v2 =	vld.msk [tilespmem:s24+$0xFFFFFE80], $0xff;
	_ =	sdelay $0x4  }
0xf3: {  	v3 =	vshll.u32 v2, $0x3  }
0xf4: {  	v2 =	vand.u32 $0x7, v2;
	v3 =	vand.u32 $0xFFFFFFC0, v3  }
0xf5: {  	v2 =	vor.u32 v2, v3  }
0xf6: {  	v2 =	vperm.xlane v2, v0;
	_ =	sdelay $0x1  }
0xf7: {  	v2 =	vadd.s32 v1, v2;
	_ =	sdelay $0x4  }
0xf8: {  	[tilespmem:s21], [sflag:$0x5] =	stream.indirect_vreg.gather [hbm4b:s2+s3], $0x80, v2, vm0, $0xb8;
	[tilespmem:$0x14000] =	vst v63  }
0xf9: {  	s21 =	simm.s32 $0xC800  }
0xfa: {  	[tilespmem:s21], [sflag:$0x5] =	stream.indirect_vreg.gather [hbm4b:s5+s3], $0x80, v2, vm0, $0xb8;
	[tilespmem:$0x14000] =	vst v63  }
0xfb: {  	s22 =	simm.s32 $0xD000  }
0xfc: {  	[tilespmem:s22], [sflag:$0x5] =	stream.indirect_vreg.gather [hbm4b:s6+s3], $0x80, v2, vm0, $0xb8;
	[tilespmem:$0x14000] =	vst v63  }
0xfd: {  	s22 =	simm.s32 $0xD800  }
0xfe: {  	[tilespmem:s22], [sflag:$0x5] =	stream.indirect_vreg.gather [hbm4b:s7+s3], $0x80, v2, vm0, $0xb8;
	[tilespmem:$0x14000] =	vst v63  }
0xff: {  	_ =	swait.ge [sflag:s0], $0x2000  }
0x100: {  	[sflag:s0] =	ssyncset.done $0x0  }
0x101: {  	s22 =	sadd.s32 $0x2000, s18;
	[sflag:s0] =	ssyncadd.s32 $0xFFFFE000  }
0x102: {  	[hbm4b:s22+s3] =	stream.linear.scatter [tilespmem:s31], [sflag:$0x9], $0x2000, $0x38;
	[tilespmem:$0x14000] =	vst v63  }
0x103: {  	s22 =	simm.s32 $0xE  }
0x104: {  	_ =	swait.ge [sflag:s22], $0x2000  }
0x105: {  	[sflag:s22] =	ssyncset.done $0x0  }
0x106: {  	[sflag:s22] =	ssyncadd.s32 $0xFFFFE000  }
0x107: {  	v2 =	vld.msk [tilespmem:s24+$0xFFFFFF00], $0xff;
	_ =	sdelay $0x4  }
0x108: {  	v3 =	vshll.u32 v2, $0x3  }
0x109: {  	v2 =	vand.u32 $0x7, v2;
	v3 =	vand.u32 $0xFFFFFFC0, v3  }
0x10a: {  	v2 =	vor.u32 v2, v3  }
0x10b: {  	v2 =	vperm.xlane v2, v0;
	_ =	sdelay $0x1  }
0x10c: {  	v2 =	vadd.s32 v1, v2;
	_ =	sdelay $0x4  }
0x10d: {  	[tilespmem:s28], [sflag:$0x6] =	stream.indirect_vreg.gather [hbm4b:s2+s3], $0x80, v2, vm0, $0xb8;
	[tilespmem:$0x14000] =	vst v63  }
0x10e: {  	s28 =	simm.s32 $0xE800  }
0x10f: {  	[tilespmem:s28], [sflag:$0x6] =	stream.indirect_vreg.gather [hbm4b:s5+s3], $0x80, v2, vm0, $0xb8;
	[tilespmem:$0x14000] =	vst v63  }
0x110: {  	s22 =	simm.s32 $0xF000  }
0x111: {  	[tilespmem:s22], [sflag:$0x6] =	stream.indirect_vreg.gather [hbm4b:s6+s3], $0x80, v2, vm0, $0xb8;
	[tilespmem:$0x14000] =	vst v63  }
0x112: {  	s22 =	simm.s32 $0xF800  }
0x113: {  	[tilespmem:s22], [sflag:$0x6] =	stream.indirect_vreg.gather [hbm4b:s7+s3], $0x80, v2, vm0, $0xb8;
	[tilespmem:$0x14000] =	vst v63  }
0x114: {  	_ =	swait.ge [sflag:s1], $0x2000  }
0x115: {  	[sflag:s1] =	ssyncset.done $0x0  }
0x116: {  	s22 =	sadd.s32 $0x2400, s18;
	[sflag:s1] =	ssyncadd.s32 $0xFFFFE000  }
0x117: {  	[hbm4b:s22+s3] =	stream.linear.scatter [tilespmem:s13], [sflag:$0xA], $0x2000, $0x38;
	[tilespmem:$0x14000] =	vst v63  }
0x118: {  	s13 =	simm.s32 $0xF  }
0x119: {  	_ =	swait.ge [sflag:s13], $0x2000  }
0x11a: {  	[sflag:s13] =	ssyncset.done $0x0  }
0x11b: {  	[sflag:s13] =	ssyncadd.s32 $0xFFFFE000  }
0x11c: {  	v2 =	vld.msk [tilespmem:s24+$0xFFFFFF80], $0xff;
	_ =	sdelay $0x4  }
0x11d: {  	v3 =	vshll.u32 v2, $0x3  }
0x11e: {  	v2 =	vand.u32 $0x7, v2;
	v3 =	vand.u32 $0xFFFFFFC0, v3  }
0x11f: {  	v2 =	vor.u32 v2, v3  }
0x120: {  	v2 =	vperm.xlane v2, v0;
	_ =	sdelay $0x1  }
0x121: {  	v2 =	vadd.s32 v1, v2;
	_ =	sdelay $0x4  }
0x122: {  	[tilespmem:s29], [sflag:$0x7] =	stream.indirect_vreg.gather [hbm4b:s2+s3], $0x80, v2, vm0, $0xb8;
	[tilespmem:$0x14000] =	vst v63  }
0x123: {  	s29 =	simm.s32 $0x10800  }
0x124: {  	[tilespmem:s29], [sflag:$0x7] =	stream.indirect_vreg.gather [hbm4b:s5+s3], $0x80, v2, vm0, $0xb8;
	[tilespmem:$0x14000] =	vst v63  }
0x125: {  	s29 =	simm.s32 $0x11000  }
0x126: {  	[tilespmem:s29], [sflag:$0x7] =	stream.indirect_vreg.gather [hbm4b:s6+s3], $0x80, v2, vm0, $0xb8;
	[tilespmem:$0x14000] =	vst v63  }
0x127: {  	s13 =	simm.s32 $0x11800  }
0x128: {  	[tilespmem:s13], [sflag:$0x7] =	stream.indirect_vreg.gather [hbm4b:s7+s3], $0x80, v2, vm0, $0xb8;
	[tilespmem:$0x14000] =	vst v63  }
0x129: {  	_ =	swait.ge [sflag:s4], $0x2000  }
0x12a: {  	[sflag:s4] =	ssyncset.done $0x0  }
0x12b: {  	s18 =	sadd.s32 $0x2800, s18;
	[sflag:s4] =	ssyncadd.s32 $0xFFFFE000  }
0x12c: {  	[hbm4b:s18+s3] =	stream.linear.scatter [tilespmem:s26], [sflag:$0xB], $0x2000, $0x38;
	[tilespmem:$0x14000] =	vst v63  }
0x12d: {  	s26 =	simm.s32 $0x10  }
0x12e: {  	_ =	swait.ge [sflag:s26], $0x2000  }
0x12f: {  	[sflag:s26] =	ssyncset.done $0x0  }
0x130: {  	[sflag:s26] =	ssyncadd.s32 $0xFFFFE000  }
0x131: {  	v2 =	vld.msk [tilespmem:s24+$0x0], $0xff;
	_ =	sdelay $0x4  }
0x132: {  	v3 =	vshll.u32 v2, $0x3  }
0x133: {  	v2 =	vand.u32 $0x7, v2;
	v3 =	vand.u32 $0xFFFFFFC0, v3  }
0x134: {  	v2 =	vor.u32 v2, v3  }
0x135: {  	v2 =	vperm.xlane v2, v0;
	_ =	sdelay $0x1  }
0x136: {  	v2 =	vadd.s32 v1, v2;
	_ =	sdelay $0x4  }
0x137: {  	[tilespmem:s30], [sflag:$0x8] =	stream.indirect_vreg.gather [hbm4b:s2+s3], $0x80, v2, vm0, $0xb8;
	[tilespmem:$0x14000] =	vst v63  }
0x138: {  	p0 =	sne.s32 s25, $0x1C000;
	s25 =	sadd.s32 $0x2000, s25;
	s13 =	simm.s32 $0x12800  }
0x139: {  	[tilespmem:s13], [sflag:$0x8] =	stream.indirect_vreg.gather [hbm4b:s5+s3], $0x80, v2, vm0, $0xb8;
	[tilespmem:$0x14000] =	vst v63  }
.Ltmp0:
0x13a: {  	s8 =	simm.s32 $0xA000;
	s9 =	simm.s32 $0xC000;
	(pc) =	sbr.rel @p0 .LBB2_2-.Ltmp0, $4  }
0x13b: {  	s31 =	simm.s32 $0xE000;
	s22 =	simm.s32 $0x10000;
	s26 =	simm.s32 $0x13000  }
0x13c: {  	[tilespmem:s26], [sflag:$0x8] =	stream.indirect_vreg.gather [hbm4b:s6+s3], $0x80, v2, vm0, $0xb8;
	[tilespmem:$0x14000] =	vst v63  }
0x13d: {  	s29 =	simm.s32 $0x12000;
	s24 =	sadd.s32 $0x400, s24;
	s30 =	simm.s32 $0x13800  }
0x13e: {  	[tilespmem:s30], [sflag:$0x8] =	stream.indirect_vreg.gather [hbm4b:s7+s3], $0x80, v2, vm0, $0xb8;
	[tilespmem:$0x14000] =	vst v63  }
0x13f: {  	_ =	swait.ge [sflag:s10], $0x2000  }
0x140: {  	[sflag:s10] =	ssyncset.done $0x0  }
0x141: {  	s18 =	rddreg [dreg:$0x9];
	[sflag:s10] =	ssyncadd.s32 $0xFFFFE000  }
0x142: {  	[hbm4b:s18+s3] =	stream.linear.scatter [tilespmem:s8], [sflag:$0xC], $0x2000, $0x38;
	[tilespmem:$0x14000] =	vst v63  }
0x143: {  	_ =	swait.ge [sflag:s12], $0x2000  }
0x144: {  	[sflag:s12] =	ssyncset.done $0x0  }
0x145: {  	s4 =	rddreg [dreg:$0xa];
	[sflag:s12] =	ssyncadd.s32 $0xFFFFE000  }
0x146: {  	[hbm4b:s4+s3] =	stream.linear.scatter [tilespmem:s9], [sflag:$0xD], $0x2000, $0x38;
	[tilespmem:$0x14000] =	vst v63  }
0x147: {  	_ =	swait.ge [sflag:s15], $0x2000  }
0x148: {  	[sflag:s15] =	ssyncset.done $0x0  }
0x149: {  	s10 =	rddreg [dreg:$0xb];
	[sflag:s15] =	ssyncadd.s32 $0xFFFFE000  }
0x14a: {  	[hbm4b:s10+s3] =	stream.linear.scatter [tilespmem:s31], [sflag:$0xE], $0x2000, $0x38;
	[tilespmem:$0x14000] =	vst v63  }
0x14b: {  	_ =	swait.ge [sflag:s17], $0x2000  }
0x14c: {  	[sflag:s17] =	ssyncset.done $0x0  }
0x14d: {  	s12 =	rddreg [dreg:$0xc];
	[sflag:s17] =	ssyncadd.s32 $0xFFFFE000  }
0x14e: {  	[hbm4b:s12+s3] =	stream.linear.scatter [tilespmem:s22], [sflag:$0xF], $0x2000, $0x38;
	[tilespmem:$0x14000] =	vst v63  }
0x14f: {  	_ =	swait.ge [sflag:s20], $0x2000  }
0x150: {  	[sflag:s20] =	ssyncset.done $0x0  }
0x151: {  	s13 =	rddreg [dreg:$0xd];
	[sflag:s20] =	ssyncadd.s32 $0xFFFFE000  }
0x152: {  	[hbm4b:s13+s3] =	stream.linear.scatter [tilespmem:s29], [sflag:$0x10], $0x2000, $0x38;
	[tilespmem:$0x14000] =	vst v63  }
0x153: {  	_ =	swait.ge [sflag:s11], $0x2000  }
0x154: {  	[sflag:s11] =	ssyncset.done $0x0  }
0x155: {  	[sflag:s11] =	ssyncadd.s32 $0xFFFFE000  }
0x156: {  	_ =	swait.ge [sflag:s14], $0x2000  }
0x157: {  	[sflag:s14] =	ssyncset.done $0x0  }
0x158: {  	[sflag:s14] =	ssyncadd.s32 $0xFFFFE000  }
0x159: {  	_ =	swait.ge [sflag:s16], $0x2000  }
0x15a: {  	[sflag:s16] =	ssyncset.done $0x0  }
0x15b: {  	[sflag:s16] =	ssyncadd.s32 $0xFFFFE000  }
0x15c: {  	_ =	swait.ge [sflag:s19], $0x2000  }
0x15d: {  	[sflag:s19] =	ssyncset.done $0x0  }
0x15e: {  	[sflag:s19] =	ssyncadd.s32 $0xFFFFE000  }
0x15f: {  	_ =	swait.ge [sflag:s23], $0x2000  }
0x160: {  	[sflag:s23] =	ssyncset.done $0x0  }
0x161: {  	s0 =	simm.s32 $0xE;
	[sflag:s23] =	ssyncadd.s32 $0xFFFFE000  }
0x162: {  	_ =	swait.ge [sflag:s0], $0x2000  }
0x163: {  	[sflag:s0] =	ssyncset.done $0x0  }
0x164: {  	s24 =	simm.s32 $0xF;
	[sflag:s0] =	ssyncadd.s32 $0xFFFFE000  }
0x165: {  	_ =	swait.ge [sflag:s24], $0x2000  }
0x166: {  	[sflag:s24] =	ssyncset.done $0x0  }
0x167: {  	s25 =	simm.s32 $0x10;
	[sflag:s24] =	ssyncadd.s32 $0xFFFFE000  }
0x168: {  	_ =	swait.ge [sflag:s25], $0x2000  }
0x169: {  	s1 =	rddreg [dreg:$0xf]  }
0x16a: {  	s26 =	rddreg [dreg:$0xe];
	s1 =	sadd.s32 $0x1, s1  }
0x16b: {  	p0 =	sne.s32 s1, s26  }
.Ltmp1:
0x16c: {  	_ = 	snop;
	(pc) =	sbr.rel @p0 .LBB2_1-.Ltmp1, $4  }
0x16d: {  	s30 =	simm.s32 $0x11800;
	s4 =	simm.s32 $0x4000;
	s10 =	simm.s32 $0x6000  }
0x16e: {  	s12 =	simm.s32 $0x7000;
	s13 =	simm.s32 $0x5000;
	s11 =	simm.s32 $0xF800  }
0x16f: {  	s0 =	simm.s32 $0x13800;
	s24 =	simm.s32 $0x4800;
	[sflag:s25] =	ssyncset.done $0x0  }
0x170: {  	[sflag:s25] =	ssyncadd.s32 $0xFFFFE000;
	s25 =	simm.s32 $0x5800;
	s26 =	simm.s32 $0x6800  }
0x171: {  	_ =	sfence.sel $0x180000  }
0x172: {  	[bflag:$0x0] =	sbarrier.arrive $0xFFFF  }
0x173: {  	_ =	strace $0x90000047  }
0x174: {  	s0 =	stileid.u32;
	[bflag:$0x2] =	sbarrier.arrive $0xFFFF  }
0x175: {  	p0 =	sne.s32 s0, $0x0;
	s0 =	rddreg [dreg:$0x3]  }
0x176: {  	s0 =	sadd.s32 @!p0 $0x100000, s0  }
0x177: {  	[sflag:s0] =	ssyncadd.tile.s32 @!p0 $0x1;
	_ =	shalt  }
.Lfunc_end2:
_tile_overlayer_lowered:
.L_overlay_start_2:
0x178: {  	(tag) =	ssettag $0x2  }
0x179: {  	s0 =	rddreg [dreg:$0x0];
	s2 =	stileid.u32  }
0x17a: {  	s1 =	rddreg [dreg:$0x1];
	p0 =	sne.s32 s2, $0x0  }
0x17b: {  	s3 =	rddreg [dreg:$0x2];
	[bflag:$0x3] =	sbarrier.arrive $0xFFFF;
	s2 =	simm.s32 @!p0 $0x1C11  }
0x17c: {  	[timem:s3], [sflag:s2] =	dma.local @!p0 [hbm:s0], s1  }
0x17d: {  	s0 =	simm.s32 @!p0 $0x11  }
0x17e: {  	_ =	swait.ge @!p0 [sflag:s0], s1  }
0x17f: {  	s1 =	ssub.s32 @!p0 $0x0, s1;
	[sflag:s0] =	ssyncset.done @!p0 $0x0  }
0x180: {  	[sflag:s0] =	ssyncadd.s32 @!p0 s1  }
0x181: {  	[bflag:$0x3] =	sbarrier.arrive $0xFFFF  }
0x182: {  	_ =	shalt  }

</sc_bundles>
